<compile_context>
chip_gen: v7x
topology: tpu7x:2x2x1
jax: 0.10.2.dev20260603
libtpu: 0.0.44.dev20260713+nightly
codegen_flags: <defaults>
</compile_context>

<pallas_src>
import functools

import numpy as np_host

import jax
import jax.numpy as jnp
from jax import lax
from jax.experimental import pallas as pl
from jax.experimental.pallas import tpu as pltpu
from jax.experimental.pallas import tpu_sc as plsc

NC = 2
NS = 16
CH = 128


def _matmul_call(x, W):
    n, d_in = x.shape
    d_out = W.shape[1]
    rm = 2000
    grid = (n // rm,)

    def mm(x_ref, w_ref, o_ref):
        o_ref[...] = jnp.dot(x_ref[...], w_ref[...],
                             preferred_element_type=jnp.float32)

    return pl.pallas_call(
        mm,
        grid=grid,
        in_specs=[
            pl.BlockSpec((rm, d_in), lambda i: (i, 0)),
            pl.BlockSpec((d_in, d_out), lambda i: (0, 0)),
        ],
        out_specs=pl.BlockSpec((rm, d_out), lambda i: (i, 0)),
        out_shape=jax.ShapeDtypeStruct((n, d_out), jnp.float32),
    )(x, W)


def _sc_scatter_call(h2v, eidx3, colpad, rowpad, nch, np_rows):
    dh = h2v.shape[1]
    d = dh * NC
    real_rows = eidx3.shape[0]
    pad_rows = colpad.shape[0]
    last_real = real_rows - (NS - 1) * nch
    rows_per_tile = np_rows // NS
    wb_chunks = rows_per_tile // CH
    mesh = plsc.VectorSubcoreMesh(core_axis_name="c", subcore_axis_name="s")

    @functools.partial(
        pl.kernel,
        out_type=[
            jax.ShapeDtypeStruct((np_rows, d), jnp.float32),
            jax.ShapeDtypeStruct((NC, np_rows, 16), jnp.float32),
        ],
        mesh=mesh,
        compiler_params=pltpu.CompilerParams(use_tc_tiling_on_sc=False),
        scratch_types=[
            pltpu.VMEM((nch, CH), jnp.int32),
            pltpu.VMEM((nch, CH), jnp.int32),
            pltpu.VMEM((CH, dh), jnp.float32),
            pltpu.VMEM((CH, dh), jnp.float32),
            pltpu.VMEM((CH, dh), jnp.float32),
            pltpu.VMEM((CH, dh), jnp.float32),
            pltpu.VMEM((CH, 16), jnp.float32),
            pltpu.VMEM_SHARED((np_rows, dh), jnp.float32),
            pltpu.VMEM_SHARED((np_rows, 16), jnp.float32),
            [pltpu.SemaphoreType.DMA] * 4,
            [pltpu.SemaphoreType.DMA] * 4,
        ],
    )
    def sc_body(h_hbm, eidx_hbm, colpad_hbm, rowpad_hbm,
                acc_out, deg_out,
                colv, rowv, buf0, buf1, buf2, buf3, ones16, acc_sh, deg_sh,
                gsem, ssem):
        cid = lax.axis_index("c")
        sid = lax.axis_index("s")
        base = sid * rows_per_tile
        cofs = cid * dh
        table = h_hbm
        bufs = (buf0, buf1, buf2, buf3)

        @pl.when(sid < NS - 1)
        def _():
            pltpu.sync_copy(eidx_hbm.at[pl.ds(sid * nch, nch), 1], colv)
            pltpu.sync_copy(eidx_hbm.at[pl.ds(sid * nch, nch), 0], rowv)

        @pl.when(sid == NS - 1)
        def _():
            pltpu.sync_copy(eidx_hbm.at[pl.ds((NS - 1) * nch, last_real), 1],
                            colv.at[pl.ds(0, last_real)])
            pltpu.sync_copy(eidx_hbm.at[pl.ds((NS - 1) * nch, last_real), 0],
                            rowv.at[pl.ds(0, last_real)])
            pltpu.sync_copy(colpad_hbm, colv.at[pl.ds(last_real, pad_rows)])
            pltpu.sync_copy(rowpad_hbm, rowv.at[pl.ds(last_real, pad_rows)])

        def cxf(i, _):
            for k in range(CH // 16):
                sl = pl.ds(k * 16, 16)
                colv[i, sl] = colv[i, sl] * 2 + cid
            return 0

        lax.fori_loop(0, nch, cxf, 0)

        def gather(j, b):
            pltpu.async_copy(table.at[colv.at[j]], bufs[b], gsem[b])

        gather(0, 0)
        gather(1, 1)
        gather(2, 2)

        def zrow(i, _):
            for k in range(dh // 16):
                buf3[i, pl.ds(k * 16, 16)] = jnp.zeros((16,), jnp.float32)
            ones16[i, :] = jnp.zeros((16,), jnp.float32)
            return 0

        lax.fori_loop(0, CH, zrow, 0)
        for t in range(wb_chunks):
            sl = pl.ds(base + t * CH, CH)
            pltpu.sync_copy(buf3, acc_sh.at[sl])
            pltpu.sync_copy(ones16, deg_sh.at[sl])

        def orow(i, _):
            ones16[i, :] = jnp.ones((16,), jnp.float32)
            return 0

        lax.fori_loop(0, CH, orow, 0)
        plsc.subcore_barrier()

        def wait_gather(b):
            pltpu.make_async_copy(table.at[pl.ds(0, CH)], bufs[b],
                                  gsem[b]).wait()

        def wait_scatter(b, j):
            pltpu.make_async_copy(bufs[b], acc_sh.at[rowv.at[j]], ssem[b])\
                .wait()

        def step(g, _):
            for b in range(4):
                j = 4 * g + b
                wait_gather(b)
                pltpu.async_copy(bufs[b], acc_sh.at[rowv.at[j]], ssem[b],
                                 add=True)

                @pl.when(cid == j % 2)
                def _():
                    pltpu.sync_copy(ones16, deg_sh.at[rowv.at[j]], add=True)

                prev = (b - 1) % 4
                nxt = (b + 3) % 4

                if b == 0:
                    @pl.when(g >= 1)
                    def _():
                        wait_scatter(prev, j - 1)
                    gather(j + 3, nxt)
                else:
                    @pl.when(g < nch // 4 - 1)
                    def _():
                        wait_scatter(prev, j - 1)
                        gather(j + 3, nxt)

            return 0

        lax.fori_loop(0, nch // 4, step, 0)
        for j in (nch - 4, nch - 3, nch - 2, nch - 1):
            wait_scatter(j % 4, j)
        plsc.subcore_barrier()

        for t in range(wb_chunks):
            sl = pl.ds(base + t * CH, CH)
            pltpu.sync_copy(acc_sh.at[sl], acc_out.at[sl, pl.ds(cofs, dh)])
            pltpu.sync_copy(deg_sh.at[sl], deg_out.at[cid].at[sl])

    return sc_body(h2v, eidx3, colpad, rowpad)


def _epilogue_call(acc, deg, bias2, fc, bf2, n):
    d = acc.shape[1]
    rm = 2000
    grid = (n // rm,)

    def ep(acc_ref, deg_ref, b_ref, fc_ref, bf_ref, o_ref):
        vh = acc_ref[...]
        dd = deg_ref[...]
        dcol = dd[0, :, 0:1] + dd[1, :, 0:1]
        inv = jnp.where(dcol > 0, 1.0 / jnp.where(dcol > 0, dcol, 1.0), 0.0)
        vh = vh * inv
        vh = jnp.where(jnp.isnan(vh), jnp.zeros_like(vh), vh)
        vh = vh + b_ref[...]
        s = jax.nn.sigmoid(
            jnp.dot(vh, fc_ref[...], preferred_element_type=jnp.float32)
            + bf_ref[...])
        o_ref[...] = (jnp.where(vh < 0, jnp.zeros_like(vh), vh)
                      + s * jnp.where(vh > 0, jnp.zeros_like(vh), vh))

    return pl.pallas_call(
        ep,
        grid=grid,
        in_specs=[
            pl.BlockSpec((rm, d), lambda i: (i, 0)),
            pl.BlockSpec((NC, rm, 16), lambda i: (0, i, 0)),
            pl.BlockSpec((1, d), lambda i: (0, 0)),
            pl.BlockSpec((d, 1), lambda i: (0, 0)),
            pl.BlockSpec((1, 1), lambda i: (0, 0)),
        ],
        out_specs=pl.BlockSpec((rm, d), lambda i: (i, 0)),
        out_shape=jax.ShapeDtypeStruct((n, d), jnp.float32),
    )(acc, deg, bias2, fc, bf2)


def kernel(x, edge_index, edge_attr, W, bias, fc, bf):
    n = x.shape[0]
    e = edge_index.shape[1]
    np_rows = ((n + NS * CH - 1) // (NS * CH)) * (NS * CH)
    blk = NS * CH * 4
    e_pad = ((e + blk - 1) // blk) * blk
    nch = e_pad // (NS * CH)

    ei = edge_index.astype(jnp.int32)
    eidx3 = ei.reshape(2, e // CH, CH).transpose(1, 0, 2)
    padn = e_pad - e
    ar = np_host.arange(padn, dtype=np_host.int32)
    rowpad = jnp.asarray((n + (ar % (np_rows - n))).reshape(-1, CH))
    colpad = jnp.asarray((ar % n).reshape(-1, CH))

    h = _matmul_call(x, W)
    h2v = h.reshape(NC * n, h.shape[1] // NC)
    acc, deg = _sc_scatter_call(h2v, eidx3, colpad, rowpad, nch, np_rows)
    out = _epilogue_call(acc, deg, bias.reshape(1, -1), fc,
                         bf.reshape(1, 1), n)
    return out

# --- scband reference (transcript-rebuilt; emitter-appended) ---
"""Pipeline reference for scband-srgcn-softmax-head-25744033972468 (READ-ONLY COPY).

The authoritative reference and input builder live on the scoring server;
editing this copy changes nothing except your own understanding.
"""

import jax, jax.numpy as jnp
import numpy as np

N_NODES = 10000
N_EDGES = 320000
D_IN = 128
D_OUT = 128
D_EDGE = 4


def setup_inputs(seed: int = 0) -> dict:
    key = jax.random.key(seed)
    k1, k2, k3, k4, k5 = jax.random.split(key, 5)
    x = jax.random.normal(k1, (N_NODES, D_IN), dtype=jnp.float32)
    edge_index = jax.random.randint(k2, (2, N_EDGES), 0, N_NODES, dtype=jnp.int64)
    edge_attr = jax.random.normal(k3, (N_EDGES, D_EDGE), dtype=jnp.float32)
    # learned parameters (xavier_normal with gain 1.414 ~ normal with matching std)
    std_w = 1.414 * np.sqrt(2.0 / (D_IN + D_OUT))
    W = jax.random.normal(k4, (D_IN, D_OUT), dtype=jnp.float32) * std_w
    bias = jnp.zeros((D_OUT,), dtype=jnp.float32)
    std_fc = 1.414 * np.sqrt(2.0 / (D_OUT + 1))
    fc = jax.random.normal(k5, (D_OUT, 1), dtype=jnp.float32) * std_fc
    bf = jnp.zeros((1,), dtype=jnp.float32)
    return {"x": x, "edge_index": edge_index, "edge_attr": edge_attr, "W": W, "bias": bias, "fc": fc, "bf": bf}


def reference(x, edge_index, edge_attr, W, bias, fc, bf):
    # eval mode: all dropouts are identity
    N = x.shape[0]
    E = edge_index.shape[1]
    h = x @ W
    # identity attention: adj_mat_ind = edge_index, adj_mat_val = ones(E)
    row = edge_index[0]
    col = edge_index[1]
    val = jnp.ones((E,), dtype=h.dtype)
    # row_uniform normalization: divide each edge value by its row sum
    deg = jax.ops.segment_sum(val, row, num_segments=N)
    denom = deg[row]
    val = jnp.where(denom > 0, val / jnp.where(denom > 0, denom, 1.0), 0.0)
    # spmm: out[i] = sum_{(i,j) in E} val * h[j]
    msg = val[:, None] * h[col]
    val_h = jax.ops.segment_sum(msg, row, num_segments=N)
    # val_h[val_h != val_h] = 0  (NaN scrub)
    val_h = jnp.where(jnp.isnan(val_h), jnp.zeros_like(val_h), val_h)
    val_h = val_h + bias
    # NodeAdaptiveEncoder
    s = jax.nn.sigmoid(val_h @ fc + bf)
    out = jnp.where(val_h < 0, jnp.zeros_like(val_h), val_h) + s * jnp.where(val_h > 0, jnp.zeros_like(val_h), val_h)
    return out

if __name__ == "__main__":
    import jax
    _d = setup_inputs()
    print(jax.jit(kernel)(*tuple(_d.values())))

</pallas_src>

<mosaic_0001>
#map = affine_map<(d0, d1) -> (0, 0)>
#map1 = affine_map<(d0, d1) -> (0, 0, 0)>
module attributes {stable_mosaic.version = 14 : i64} {
  func.func @sc_body(%arg0: i32, %arg1: i32, %arg2: memref<20000x64xf32, #tpu.memory_space<hbm>>, %arg3: memref<2500x2x128xi32, #tpu.memory_space<hbm>>, %arg4: memref<60x128xi32, #tpu.memory_space<hbm>>, %arg5: memref<60x128xi32, #tpu.memory_space<hbm>>, %arg6: memref<10240x128xf32, #tpu.memory_space<hbm>>, %arg7: memref<2x10240x16xf32, #tpu.memory_space<hbm>>, %arg8: memref<160x128xi32, #tpu.memory_space<vmem>>, %arg9: memref<160x128xi32, #tpu.memory_space<vmem>>, %arg10: memref<128x64xf32, #tpu.memory_space<vmem>>, %arg11: memref<128x64xf32, #tpu.memory_space<vmem>>, %arg12: memref<128x64xf32, #tpu.memory_space<vmem>>, %arg13: memref<128x64xf32, #tpu.memory_space<vmem>>, %arg14: memref<128x16xf32, #tpu.memory_space<vmem>>, %arg15: memref<10240x64xf32, #tpu.memory_space<vmem_shared>>, %arg16: memref<10240x16xf32, #tpu.memory_space<vmem_shared>>, %arg17: memref<!tpu.dma_semaphore, #tpu.memory_space<semaphore_mem>>, %arg18: memref<!tpu.dma_semaphore, #tpu.memory_space<semaphore_mem>>, %arg19: memref<!tpu.dma_semaphore, #tpu.memory_space<semaphore_mem>>, %arg20: memref<!tpu.dma_semaphore, #tpu.memory_space<semaphore_mem>>, %arg21: memref<!tpu.dma_semaphore, #tpu.memory_space<semaphore_mem>>, %arg22: memref<!tpu.dma_semaphore, #tpu.memory_space<semaphore_mem>>, %arg23: memref<!tpu.dma_semaphore, #tpu.memory_space<semaphore_mem>>, %arg24: memref<!tpu.dma_semaphore, #tpu.memory_space<semaphore_mem>>) attributes {dimension_semantics = [#tpu.dimension_semantics<core_parallel>, #tpu.dimension_semantics<subcore_parallel>], iteration_bounds = array<i64: 2, 16>, scalar_prefetch = 0 : i64, scratch_operands = 17 : i64, tpu.core_type = #tpu.core_type<sc_vector_subcore>, window_params = [{transform_indices = #map}, {transform_indices = #map1}, {transform_indices = #map}, {transform_indices = #map}, {transform_indices = #map}, {transform_indices = #map1}]} {
    %mul3A = arith.constant 640 : i32
    %mul3A_0 = arith.muli %arg1, %mul3A : i32
    %mul3A_1 = arith.constant 64 : i32
    %mul3A_2 = arith.muli %arg0, %mul3A_1 : i32
    %lt3A = arith.constant 15 : i32
    %lt3A_3 = arith.cmpi slt, %arg1, %lt3A : i32
    %convert_element_type3A = arith.extui %lt3A_3 : i1 to i32
    %cond3A = arith.constant 0 : i32
    %cond3A_4 = arith.cmpi ne, %convert_element_type3A, %cond3A : i32
    scf.if %cond3A_4 {
      %mul3A_103 = arith.constant 160 : i32
      %mul3A_104 = arith.muli %arg1, %mul3A_103 : i32
      %run_scoped3A = arith.constant 1 : i32
      "tpu.region"() ({
        %run_scoped3A_108 = tpu.sem_alloc : memref<!tpu.dma_semaphore, #tpu.memory_space<semaphore_mem>>
        %dma_start3A_109 = arith.constant 0 : i32
        %dma_start3A_110 = tpu.memref_slice %arg3[%mul3A_104, %run_scoped3A, %dma_start3A_109] : memref<2500x2x128xi32, #tpu.memory_space<hbm>> -> memref<160x1x128xi32, #tpu.memory_space<hbm>>
        %dma_start3A_111 = tpu.memref_squeeze %dma_start3A_110 : memref<160x1x128xi32, #tpu.memory_space<hbm>> -> memref<160x128xi32, #tpu.memory_space<hbm>>
        %dma_start3A_112 = arith.constant 0 : i32
        %dma_start3A_113 = tpu.memref_slice %arg3[%mul3A_104, %run_scoped3A, %dma_start3A_112] : memref<2500x2x128xi32, #tpu.memory_space<hbm>> -> memref<160x1x128xi32, #tpu.memory_space<hbm>>
        %dma_start3A_114 = tpu.memref_squeeze %dma_start3A_113 : memref<160x1x128xi32, #tpu.memory_space<hbm>> -> memref<160x128xi32, #tpu.memory_space<hbm>>
        tpu.enqueue_dma source(%dma_start3A_114 : memref<160x128xi32, #tpu.memory_space<hbm>>) target(%arg8 : memref<160x128xi32, #tpu.memory_space<vmem>>) target_semaphore(%run_scoped3A_108 : memref<!tpu.dma_semaphore, #tpu.memory_space<semaphore_mem>>)
        %dma_wait3A_115 = arith.constant 0 : i32
        %dma_wait3A_116 = tpu.memref_slice %arg3[%mul3A_104, %run_scoped3A, %dma_wait3A_115] : memref<2500x2x128xi32, #tpu.memory_space<hbm>> -> memref<160x1x128xi32, #tpu.memory_space<hbm>>
        %dma_wait3A_117 = tpu.memref_squeeze %dma_wait3A_116 : memref<160x1x128xi32, #tpu.memory_space<hbm>> -> memref<160x128xi32, #tpu.memory_space<hbm>>
        %dma_wait3A_118 = arith.constant 0 : i32
        %dma_wait3A_119 = tpu.memref_slice %arg3[%mul3A_104, %run_scoped3A, %dma_wait3A_118] : memref<2500x2x128xi32, #tpu.memory_space<hbm>> -> memref<160x1x128xi32, #tpu.memory_space<hbm>>
        %dma_wait3A_120 = tpu.memref_squeeze %dma_wait3A_119 : memref<160x1x128xi32, #tpu.memory_space<hbm>> -> memref<160x128xi32, #tpu.memory_space<hbm>>
        tpu.wait_dma2 semaphore(%run_scoped3A_108 : memref<!tpu.dma_semaphore, #tpu.memory_space<semaphore_mem>>) src(%dma_wait3A_120 : memref<160x128xi32, #tpu.memory_space<hbm>>) dst(%arg8 : memref<160x128xi32, #tpu.memory_space<vmem>>)
        tpu.yield
      }) : () -> ()
      %mul3A_105 = arith.constant 160 : i32
      %mul3A_106 = arith.muli %arg1, %mul3A_105 : i32
      %run_scoped3A_107 = arith.constant 0 : i32
      "tpu.region"() ({
        %run_scoped3A_108 = tpu.sem_alloc : memref<!tpu.dma_semaphore, #tpu.memory_space<semaphore_mem>>
        %dma_start3A_109 = arith.constant 0 : i32
        %dma_start3A_110 = tpu.memref_slice %arg3[%mul3A_106, %run_scoped3A_107, %dma_start3A_109] : memref<2500x2x128xi32, #tpu.memory_space<hbm>> -> memref<160x1x128xi32, #tpu.memory_space<hbm>>
        %dma_start3A_111 = tpu.memref_squeeze %dma_start3A_110 : memref<160x1x128xi32, #tpu.memory_space<hbm>> -> memref<160x128xi32, #tpu.memory_space<hbm>>
        %dma_start3A_112 = arith.constant 0 : i32
        %dma_start3A_113 = tpu.memref_slice %arg3[%mul3A_106, %run_scoped3A_107, %dma_start3A_112] : memref<2500x2x128xi32, #tpu.memory_space<hbm>> -> memref<160x1x128xi32, #tpu.memory_space<hbm>>
        %dma_start3A_114 = tpu.memref_squeeze %dma_start3A_113 : memref<160x1x128xi32, #tpu.memory_space<hbm>> -> memref<160x128xi32, #tpu.memory_space<hbm>>
        tpu.enqueue_dma source(%dma_start3A_114 : memref<160x128xi32, #tpu.memory_space<hbm>>) target(%arg9 : memref<160x128xi32, #tpu.memory_space<vmem>>) target_semaphore(%run_scoped3A_108 : memref<!tpu.dma_semaphore, #tpu.memory_space<semaphore_mem>>)
        %dma_wait3A_115 = arith.constant 0 : i32
        %dma_wait3A_116 = tpu.memref_slice %arg3[%mul3A_106, %run_scoped3A_107, %dma_wait3A_115] : memref<2500x2x128xi32, #tpu.memory_space<hbm>> -> memref<160x1x128xi32, #tpu.memory_space<hbm>>
        %dma_wait3A_117 = tpu.memref_squeeze %dma_wait3A_116 : memref<160x1x128xi32, #tpu.memory_space<hbm>> -> memref<160x128xi32, #tpu.memory_space<hbm>>
        %dma_wait3A_118 = arith.constant 0 : i32
        %dma_wait3A_119 = tpu.memref_slice %arg3[%mul3A_106, %run_scoped3A_107, %dma_wait3A_118] : memref<2500x2x128xi32, #tpu.memory_space<hbm>> -> memref<160x1x128xi32, #tpu.memory_space<hbm>>
        %dma_wait3A_120 = tpu.memref_squeeze %dma_wait3A_119 : memref<160x1x128xi32, #tpu.memory_space<hbm>> -> memref<160x128xi32, #tpu.memory_space<hbm>>
        tpu.wait_dma2 semaphore(%run_scoped3A_108 : memref<!tpu.dma_semaphore, #tpu.memory_space<semaphore_mem>>) src(%dma_wait3A_120 : memref<160x128xi32, #tpu.memory_space<hbm>>) dst(%arg9 : memref<160x128xi32, #tpu.memory_space<vmem>>)
        tpu.yield
      }) : () -> ()
    } else {
    }
    %eq3A = arith.constant 15 : i32
    %eq3A_5 = arith.cmpi eq, %arg1, %eq3A : i32
    %convert_element_type3A_6 = arith.extui %eq3A_5 : i1 to i32
    %cond3A_7 = arith.constant 0 : i32
    %cond3A_8 = arith.cmpi ne, %convert_element_type3A_6, %cond3A_7 : i32
    scf.if %cond3A_8 {
      %run_scoped3A = arith.constant 1 : i32
      "tpu.region"() ({
        %run_scoped3A_104 = tpu.sem_alloc : memref<!tpu.dma_semaphore, #tpu.memory_space<semaphore_mem>>
        %dma_start3A_105 = arith.constant 0 : i32
        %dma_start3A_106 = arith.constant 0 : i32
        %dma_start3A_107 = tpu.memref_slice %arg8[%dma_start3A_105, %dma_start3A_106] : memref<160x128xi32, #tpu.memory_space<vmem>> -> memref<100x128xi32, #tpu.memory_space<vmem>>
        %dma_start3A_108 = arith.constant 2400 : i32
        %dma_start3A_109 = arith.constant 0 : i32
        %dma_start3A_110 = tpu.memref_slice %arg3[%dma_start3A_108, %run_scoped3A, %dma_start3A_109] : memref<2500x2x128xi32, #tpu.memory_space<hbm>> -> memref<100x1x128xi32, #tpu.memory_space<hbm>>
        %dma_start3A_111 = tpu.memref_squeeze %dma_start3A_110 : memref<100x1x128xi32, #tpu.memory_space<hbm>> -> memref<100x128xi32, #tpu.memory_space<hbm>>
        %dma_start3A_112 = arith.constant 0 : i32
        %dma_start3A_113 = arith.constant 0 : i32
        %dma_start3A_114 = tpu.memref_slice %arg8[%dma_start3A_112, %dma_start3A_113] : memref<160x128xi32, #tpu.memory_space<vmem>> -> memref<100x128xi32, #tpu.memory_space<vmem>>
        %dma_start3A_115 = arith.constant 2400 : i32
        %dma_start3A_116 = arith.constant 0 : i32
        %dma_start3A_117 = tpu.memref_slice %arg3[%dma_start3A_115, %run_scoped3A, %dma_start3A_116] : memref<2500x2x128xi32, #tpu.memory_space<hbm>> -> memref<100x1x128xi32, #tpu.memory_space<hbm>>
        %dma_start3A_118 = tpu.memref_squeeze %dma_start3A_117 : memref<100x1x128xi32, #tpu.memory_space<hbm>> -> memref<100x128xi32, #tpu.memory_space<hbm>>
        tpu.enqueue_dma source(%dma_start3A_118 : memref<100x128xi32, #tpu.memory_space<hbm>>) target(%dma_start3A_114 : memref<100x128xi32, #tpu.memory_space<vmem>>) target_semaphore(%run_scoped3A_104 : memref<!tpu.dma_semaphore, #tpu.memory_space<semaphore_mem>>)
        %dma_wait3A_119 = arith.constant 0 : i32
        %dma_wait3A_120 = arith.constant 0 : i32
        %dma_wait3A_121 = tpu.memref_slice %arg8[%dma_wait3A_119, %dma_wait3A_120] : memref<160x128xi32, #tpu.memory_space<vmem>> -> memref<100x128xi32, #tpu.memory_space<vmem>>
        %dma_wait3A_122 = arith.constant 2400 : i32
        %dma_wait3A_123 = arith.constant 0 : i32
        %dma_wait3A_124 = tpu.memref_slice %arg3[%dma_wait3A_122, %run_scoped3A, %dma_wait3A_123] : memref<2500x2x128xi32, #tpu.memory_space<hbm>> -> memref<100x1x128xi32, #tpu.memory_space<hbm>>
        %dma_wait3A_125 = tpu.memref_squeeze %dma_wait3A_124 : memref<100x1x128xi32, #tpu.memory_space<hbm>> -> memref<100x128xi32, #tpu.memory_space<hbm>>
        %dma_wait3A_126 = arith.constant 0 : i32
        %dma_wait3A_127 = arith.constant 0 : i32
        %dma_wait3A_128 = tpu.memref_slice %arg8[%dma_wait3A_126, %dma_wait3A_127] : memref<160x128xi32, #tpu.memory_space<vmem>> -> memref<100x128xi32, #tpu.memory_space<vmem>>
        %dma_wait3A_129 = arith.constant 2400 : i32
        %dma_wait3A_130 = arith.constant 0 : i32
        %dma_wait3A_131 = tpu.memref_slice %arg3[%dma_wait3A_129, %run_scoped3A, %dma_wait3A_130] : memref<2500x2x128xi32, #tpu.memory_space<hbm>> -> memref<100x1x128xi32, #tpu.memory_space<hbm>>
        %dma_wait3A_132 = tpu.memref_squeeze %dma_wait3A_131 : memref<100x1x128xi32, #tpu.memory_space<hbm>> -> memref<100x128xi32, #tpu.memory_space<hbm>>
        tpu.wait_dma2 semaphore(%run_scoped3A_104 : memref<!tpu.dma_semaphore, #tpu.memory_space<semaphore_mem>>) src(%dma_wait3A_132 : memref<100x128xi32, #tpu.memory_space<hbm>>) dst(%dma_wait3A_128 : memref<100x128xi32, #tpu.memory_space<vmem>>)
        tpu.yield
      }) : () -> ()
      %run_scoped3A_103 = arith.constant 0 : i32
      "tpu.region"() ({
        %run_scoped3A_104 = tpu.sem_alloc : memref<!tpu.dma_semaphore, #tpu.memory_space<semaphore_mem>>
        %dma_start3A_105 = arith.constant 0 : i32
        %dma_start3A_106 = arith.constant 0 : i32
        %dma_start3A_107 = tpu.memref_slice %arg9[%dma_start3A_105, %dma_start3A_106] : memref<160x128xi32, #tpu.memory_space<vmem>> -> memref<100x128xi32, #tpu.memory_space<vmem>>
        %dma_start3A_108 = arith.constant 2400 : i32
        %dma_start3A_109 = arith.constant 0 : i32
        %dma_start3A_110 = tpu.memref_slice %arg3[%dma_start3A_108, %run_scoped3A_103, %dma_start3A_109] : memref<2500x2x128xi32, #tpu.memory_space<hbm>> -> memref<100x1x128xi32, #tpu.memory_space<hbm>>
        %dma_start3A_111 = tpu.memref_squeeze %dma_start3A_110 : memref<100x1x128xi32, #tpu.memory_space<hbm>> -> memref<100x128xi32, #tpu.memory_space<hbm>>
        %dma_start3A_112 = arith.constant 0 : i32
        %dma_start3A_113 = arith.constant 0 : i32
        %dma_start3A_114 = tpu.memref_slice %arg9[%dma_start3A_112, %dma_start3A_113] : memref<160x128xi32, #tpu.memory_space<vmem>> -> memref<100x128xi32, #tpu.memory_space<vmem>>
        %dma_start3A_115 = arith.constant 2400 : i32
        %dma_start3A_116 = arith.constant 0 : i32
        %dma_start3A_117 = tpu.memref_slice %arg3[%dma_start3A_115, %run_scoped3A_103, %dma_start3A_116] : memref<2500x2x128xi32, #tpu.memory_space<hbm>> -> memref<100x1x128xi32, #tpu.memory_space<hbm>>
        %dma_start3A_118 = tpu.memref_squeeze %dma_start3A_117 : memref<100x1x128xi32, #tpu.memory_space<hbm>> -> memref<100x128xi32, #tpu.memory_space<hbm>>
        tpu.enqueue_dma source(%dma_start3A_118 : memref<100x128xi32, #tpu.memory_space<hbm>>) target(%dma_start3A_114 : memref<100x128xi32, #tpu.memory_space<vmem>>) target_semaphore(%run_scoped3A_104 : memref<!tpu.dma_semaphore, #tpu.memory_space<semaphore_mem>>)
        %dma_wait3A_119 = arith.constant 0 : i32
        %dma_wait3A_120 = arith.constant 0 : i32
        %dma_wait3A_121 = tpu.memref_slice %arg9[%dma_wait3A_119, %dma_wait3A_120] : memref<160x128xi32, #tpu.memory_space<vmem>> -> memref<100x128xi32, #tpu.memory_space<vmem>>
        %dma_wait3A_122 = arith.constant 2400 : i32
        %dma_wait3A_123 = arith.constant 0 : i32
        %dma_wait3A_124 = tpu.memref_slice %arg3[%dma_wait3A_122, %run_scoped3A_103, %dma_wait3A_123] : memref<2500x2x128xi32, #tpu.memory_space<hbm>> -> memref<100x1x128xi32, #tpu.memory_space<hbm>>
        %dma_wait3A_125 = tpu.memref_squeeze %dma_wait3A_124 : memref<100x1x128xi32, #tpu.memory_space<hbm>> -> memref<100x128xi32, #tpu.memory_space<hbm>>
        %dma_wait3A_126 = arith.constant 0 : i32
        %dma_wait3A_127 = arith.constant 0 : i32
        %dma_wait3A_128 = tpu.memref_slice %arg9[%dma_wait3A_126, %dma_wait3A_127] : memref<160x128xi32, #tpu.memory_space<vmem>> -> memref<100x128xi32, #tpu.memory_space<vmem>>
        %dma_wait3A_129 = arith.constant 2400 : i32
        %dma_wait3A_130 = arith.constant 0 : i32
        %dma_wait3A_131 = tpu.memref_slice %arg3[%dma_wait3A_129, %run_scoped3A_103, %dma_wait3A_130] : memref<2500x2x128xi32, #tpu.memory_space<hbm>> -> memref<100x1x128xi32, #tpu.memory_space<hbm>>
        %dma_wait3A_132 = tpu.memref_squeeze %dma_wait3A_131 : memref<100x1x128xi32, #tpu.memory_space<hbm>> -> memref<100x128xi32, #tpu.memory_space<hbm>>
        tpu.wait_dma2 semaphore(%run_scoped3A_104 : memref<!tpu.dma_semaphore, #tpu.memory_space<semaphore_mem>>) src(%dma_wait3A_132 : memref<100x128xi32, #tpu.memory_space<hbm>>) dst(%dma_wait3A_128 : memref<100x128xi32, #tpu.memory_space<vmem>>)
        tpu.yield
      }) : () -> ()
      "tpu.region"() ({
        %run_scoped3A_104 = tpu.sem_alloc : memref<!tpu.dma_semaphore, #tpu.memory_space<semaphore_mem>>
        %dma_start3A_105 = arith.constant 100 : i32
        %dma_start3A_106 = arith.constant 0 : i32
        %dma_start3A_107 = tpu.memref_slice %arg8[%dma_start3A_105, %dma_start3A_106] : memref<160x128xi32, #tpu.memory_space<vmem>> -> memref<60x128xi32, #tpu.memory_space<vmem>>
        %dma_start3A_108 = arith.constant 100 : i32
        %dma_start3A_109 = arith.constant 0 : i32
        %dma_start3A_110 = tpu.memref_slice %arg8[%dma_start3A_108, %dma_start3A_109] : memref<160x128xi32, #tpu.memory_space<vmem>> -> memref<60x128xi32, #tpu.memory_space<vmem>>
        tpu.enqueue_dma source(%arg4 : memref<60x128xi32, #tpu.memory_space<hbm>>) target(%dma_start3A_110 : memref<60x128xi32, #tpu.memory_space<vmem>>) target_semaphore(%run_scoped3A_104 : memref<!tpu.dma_semaphore, #tpu.memory_space<semaphore_mem>>)
        %dma_wait3A_111 = arith.constant 100 : i32
        %dma_wait3A_112 = arith.constant 0 : i32
        %dma_wait3A_113 = tpu.memref_slice %arg8[%dma_wait3A_111, %dma_wait3A_112] : memref<160x128xi32, #tpu.memory_space<vmem>> -> memref<60x128xi32, #tpu.memory_space<vmem>>
        %dma_wait3A_114 = arith.constant 100 : i32
        %dma_wait3A_115 = arith.constant 0 : i32
        %dma_wait3A_116 = tpu.memref_slice %arg8[%dma_wait3A_114, %dma_wait3A_115] : memref<160x128xi32, #tpu.memory_space<vmem>> -> memref<60x128xi32, #tpu.memory_space<vmem>>
        tpu.wait_dma2 semaphore(%run_scoped3A_104 : memref<!tpu.dma_semaphore, #tpu.memory_space<semaphore_mem>>) src(%arg4 : memref<60x128xi32, #tpu.memory_space<hbm>>) dst(%dma_wait3A_116 : memref<60x128xi32, #tpu.memory_space<vmem>>)
        tpu.yield
      }) : () -> ()
      "tpu.region"() ({
        %run_scoped3A_104 = tpu.sem_alloc : memref<!tpu.dma_semaphore, #tpu.memory_space<semaphore_mem>>
        %dma_start3A_105 = arith.constant 100 : i32
        %dma_start3A_106 = arith.constant 0 : i32
        %dma_start3A_107 = tpu.memref_slice %arg9[%dma_start3A_105, %dma_start3A_106] : memref<160x128xi32, #tpu.memory_space<vmem>> -> memref<60x128xi32, #tpu.memory_space<vmem>>
        %dma_start3A_108 = arith.constant 100 : i32
        %dma_start3A_109 = arith.constant 0 : i32
        %dma_start3A_110 = tpu.memref_slice %arg9[%dma_start3A_108, %dma_start3A_109] : memref<160x128xi32, #tpu.memory_space<vmem>> -> memref<60x128xi32, #tpu.memory_space<vmem>>
        tpu.enqueue_dma source(%arg5 : memref<60x128xi32, #tpu.memory_space<hbm>>) target(%dma_start3A_110 : memref<60x128xi32, #tpu.memory_space<vmem>>) target_semaphore(%run_scoped3A_104 : memref<!tpu.dma_semaphore, #tpu.memory_space<semaphore_mem>>)
        %dma_wait3A_111 = arith.constant 100 : i32
        %dma_wait3A_112 = arith.constant 0 : i32
        %dma_wait3A_113 = tpu.memref_slice %arg9[%dma_wait3A_111, %dma_wait3A_112] : memref<160x128xi32, #tpu.memory_space<vmem>> -> memref<60x128xi32, #tpu.memory_space<vmem>>
        %dma_wait3A_114 = arith.constant 100 : i32
        %dma_wait3A_115 = arith.constant 0 : i32
        %dma_wait3A_116 = tpu.memref_slice %arg9[%dma_wait3A_114, %dma_wait3A_115] : memref<160x128xi32, #tpu.memory_space<vmem>> -> memref<60x128xi32, #tpu.memory_space<vmem>>
        tpu.wait_dma2 semaphore(%run_scoped3A_104 : memref<!tpu.dma_semaphore, #tpu.memory_space<semaphore_mem>>) src(%arg5 : memref<60x128xi32, #tpu.memory_space<hbm>>) dst(%dma_wait3A_116 : memref<60x128xi32, #tpu.memory_space<vmem>>)
        tpu.yield
      }) : () -> ()
    } else {
    }
    %scan3A = arith.constant 0 : i32
    %scan3A_9 = arith.constant 0 : i32
    %scan3A_10 = arith.constant 160 : i32
    %scan3A_11 = arith.addi %scan3A_9, %scan3A_10 : i32
    %scan3A_12 = arith.constant 1 : i32
    %scan3A_13 = scf.for %scan3A_103 = %scan3A_9 to %scan3A_11 step %scan3A_12 iter_args(%scan3A_104 = %scan3A) -> (i32)  : i32 {
      %get3A = arith.index_cast %scan3A_103 : i32 to index
      %get3A_105 = arith.constant 0 : index
      %get3A_106 = tpu.vector_load %arg8[%get3A, %get3A_105] {strides = array<i32>} : memref<160x128xi32, #tpu.memory_space<vmem>>, vector<1x16xi32>,
      %get3A_107 = vector.shape_cast %get3A_106 : vector<1x16xi32> to vector<16xi32>
      %mul3A_108 = arith.constant 2 : i32
      %mul3A_109 = vector.broadcast %mul3A_108 : i32 to vector<16xi32>
      %mul3A_110 = arith.muli %get3A_107, %mul3A_109 : vector<16xi32>
      %add3A_111 = vector.broadcast %arg0 : i32 to vector<16xi32>
      %add3A_112 = arith.addi %mul3A_110, %add3A_111 : vector<16xi32>
      %swap3A = arith.index_cast %scan3A_103 : i32 to index
      %swap3A_113 = arith.constant 0 : index
      %swap3A_114 = tpu.vector_load %arg8[%swap3A, %swap3A_113] {strides = array<i32>} : memref<160x128xi32, #tpu.memory_space<vmem>>, vector<1x16xi32>,
      %swap3A_115 = vector.shape_cast %swap3A_114 : vector<1x16xi32> to vector<16xi32>
      %swap3A_116 = vector.shape_cast %add3A_112 : vector<16xi32> to vector<1x16xi32>
      tpu.vector_store %arg8[%swap3A, %swap3A_113], %swap3A_116 {strides = array<i32>} : memref<160x128xi32, #tpu.memory_space<vmem>>, vector<1x16xi32>,
      %get3A_117 = arith.index_cast %scan3A_103 : i32 to index
      %get3A_118 = arith.constant 16 : index
      %get3A_119 = tpu.vector_load %arg8[%get3A_117, %get3A_118] {strides = array<i32>} : memref<160x128xi32, #tpu.memory_space<vmem>>, vector<1x16xi32>,
      %get3A_120 = vector.shape_cast %get3A_119 : vector<1x16xi32> to vector<16xi32>
      %mul3A_121 = arith.constant 2 : i32
      %mul3A_122 = vector.broadcast %mul3A_121 : i32 to vector<16xi32>
      %mul3A_123 = arith.muli %get3A_120, %mul3A_122 : vector<16xi32>
      %add3A_124 = vector.broadcast %arg0 : i32 to vector<16xi32>
      %add3A_125 = arith.addi %mul3A_123, %add3A_124 : vector<16xi32>
      %swap3A_126 = arith.index_cast %scan3A_103 : i32 to index
      %swap3A_127 = arith.constant 16 : index
      %swap3A_128 = tpu.vector_load %arg8[%swap3A_126, %swap3A_127] {strides = array<i32>} : memref<160x128xi32, #tpu.memory_space<vmem>>, vector<1x16xi32>,
      %swap3A_129 = vector.shape_cast %swap3A_128 : vector<1x16xi32> to vector<16xi32>
      %swap3A_130 = vector.shape_cast %add3A_125 : vector<16xi32> to vector<1x16xi32>
      tpu.vector_store %arg8[%swap3A_126, %swap3A_127], %swap3A_130 {strides = array<i32>} : memref<160x128xi32, #tpu.memory_space<vmem>>, vector<1x16xi32>,
      %get3A_131 = arith.index_cast %scan3A_103 : i32 to index
      %get3A_132 = arith.constant 32 : index
      %get3A_133 = tpu.vector_load %arg8[%get3A_131, %get3A_132] {strides = array<i32>} : memref<160x128xi32, #tpu.memory_space<vmem>>, vector<1x16xi32>,
      %get3A_134 = vector.shape_cast %get3A_133 : vector<1x16xi32> to vector<16xi32>
      %mul3A_135 = arith.constant 2 : i32
      %mul3A_136 = vector.broadcast %mul3A_135 : i32 to vector<16xi32>
      %mul3A_137 = arith.muli %get3A_134, %mul3A_136 : vector<16xi32>
      %add3A_138 = vector.broadcast %arg0 : i32 to vector<16xi32>
      %add3A_139 = arith.addi %mul3A_137, %add3A_138 : vector<16xi32>
      %swap3A_140 = arith.index_cast %scan3A_103 : i32 to index
      %swap3A_141 = arith.constant 32 : index
      %swap3A_142 = tpu.vector_load %arg8[%swap3A_140, %swap3A_141] {strides = array<i32>} : memref<160x128xi32, #tpu.memory_space<vmem>>, vector<1x16xi32>,
      %swap3A_143 = vector.shape_cast %swap3A_142 : vector<1x16xi32> to vector<16xi32>
      %swap3A_144 = vector.shape_cast %add3A_139 : vector<16xi32> to vector<1x16xi32>
      tpu.vector_store %arg8[%swap3A_140, %swap3A_141], %swap3A_144 {strides = array<i32>} : memref<160x128xi32, #tpu.memory_space<vmem>>, vector<1x16xi32>,
      %get3A_145 = arith.index_cast %scan3A_103 : i32 to index
      %get3A_146 = arith.constant 48 : index
      %get3A_147 = tpu.vector_load %arg8[%get3A_145, %get3A_146] {strides = array<i32>} : memref<160x128xi32, #tpu.memory_space<vmem>>, vector<1x16xi32>,
      %get3A_148 = vector.shape_cast %get3A_147 : vector<1x16xi32> to vector<16xi32>
      %mul3A_149 = arith.constant 2 : i32
      %mul3A_150 = vector.broadcast %mul3A_149 : i32 to vector<16xi32>
      %mul3A_151 = arith.muli %get3A_148, %mul3A_150 : vector<16xi32>
      %add3A_152 = vector.broadcast %arg0 : i32 to vector<16xi32>
      %add3A_153 = arith.addi %mul3A_151, %add3A_152 : vector<16xi32>
      %swap3A_154 = arith.index_cast %scan3A_103 : i32 to index
      %swap3A_155 = arith.constant 48 : index
      %swap3A_156 = tpu.vector_load %arg8[%swap3A_154, %swap3A_155] {strides = array<i32>} : memref<160x128xi32, #tpu.memory_space<vmem>>, vector<1x16xi32>,
      %swap3A_157 = vector.shape_cast %swap3A_156 : vector<1x16xi32> to vector<16xi32>
      %swap3A_158 = vector.shape_cast %add3A_153 : vector<16xi32> to vector<1x16xi32>
      tpu.vector_store %arg8[%swap3A_154, %swap3A_155], %swap3A_158 {strides = array<i32>} : memref<160x128xi32, #tpu.memory_space<vmem>>, vector<1x16xi32>,
      %get3A_159 = arith.index_cast %scan3A_103 : i32 to index
      %get3A_160 = arith.constant 64 : index
      %get3A_161 = tpu.vector_load %arg8[%get3A_159, %get3A_160] {strides = array<i32>} : memref<160x128xi32, #tpu.memory_space<vmem>>, vector<1x16xi32>,
      %get3A_162 = vector.shape_cast %get3A_161 : vector<1x16xi32> to vector<16xi32>
      %mul3A_163 = arith.constant 2 : i32
      %mul3A_164 = vector.broadcast %mul3A_163 : i32 to vector<16xi32>
      %mul3A_165 = arith.muli %get3A_162, %mul3A_164 : vector<16xi32>
      %add3A_166 = vector.broadcast %arg0 : i32 to vector<16xi32>
      %add3A_167 = arith.addi %mul3A_165, %add3A_166 : vector<16xi32>
      %swap3A_168 = arith.index_cast %scan3A_103 : i32 to index
      %swap3A_169 = arith.constant 64 : index
      %swap3A_170 = tpu.vector_load %arg8[%swap3A_168, %swap3A_169] {strides = array<i32>} : memref<160x128xi32, #tpu.memory_space<vmem>>, vector<1x16xi32>,
      %swap3A_171 = vector.shape_cast %swap3A_170 : vector<1x16xi32> to vector<16xi32>
      %swap3A_172 = vector.shape_cast %add3A_167 : vector<16xi32> to vector<1x16xi32>
      tpu.vector_store %arg8[%swap3A_168, %swap3A_169], %swap3A_172 {strides = array<i32>} : memref<160x128xi32, #tpu.memory_space<vmem>>, vector<1x16xi32>,
      %get3A_173 = arith.index_cast %scan3A_103 : i32 to index
      %get3A_174 = arith.constant 80 : index
      %get3A_175 = tpu.vector_load %arg8[%get3A_173, %get3A_174] {strides = array<i32>} : memref<160x128xi32, #tpu.memory_space<vmem>>, vector<1x16xi32>,
      %get3A_176 = vector.shape_cast %get3A_175 : vector<1x16xi32> to vector<16xi32>
      %mul3A_177 = arith.constant 2 : i32
      %mul3A_178 = vector.broadcast %mul3A_177 : i32 to vector<16xi32>
      %mul3A_179 = arith.muli %get3A_176, %mul3A_178 : vector<16xi32>
      %add3A_180 = vector.broadcast %arg0 : i32 to vector<16xi32>
      %add3A_181 = arith.addi %mul3A_179, %add3A_180 : vector<16xi32>
      %swap3A_182 = arith.index_cast %scan3A_103 : i32 to index
      %swap3A_183 = arith.constant 80 : index
      %swap3A_184 = tpu.vector_load %arg8[%swap3A_182, %swap3A_183] {strides = array<i32>} : memref<160x128xi32, #tpu.memory_space<vmem>>, vector<1x16xi32>,
      %swap3A_185 = vector.shape_cast %swap3A_184 : vector<1x16xi32> to vector<16xi32>
      %swap3A_186 = vector.shape_cast %add3A_181 : vector<16xi32> to vector<1x16xi32>
      tpu.vector_store %arg8[%swap3A_182, %swap3A_183], %swap3A_186 {strides = array<i32>} : memref<160x128xi32, #tpu.memory_space<vmem>>, vector<1x16xi32>,
      %get3A_187 = arith.index_cast %scan3A_103 : i32 to index
      %get3A_188 = arith.constant 96 : index
      %get3A_189 = tpu.vector_load %arg8[%get3A_187, %get3A_188] {strides = array<i32>} : memref<160x128xi32, #tpu.memory_space<vmem>>, vector<1x16xi32>,
      %get3A_190 = vector.shape_cast %get3A_189 : vector<1x16xi32> to vector<16xi32>
      %mul3A_191 = arith.constant 2 : i32
      %mul3A_192 = vector.broadcast %mul3A_191 : i32 to vector<16xi32>
      %mul3A_193 = arith.muli %get3A_190, %mul3A_192 : vector<16xi32>
      %add3A_194 = vector.broadcast %arg0 : i32 to vector<16xi32>
      %add3A_195 = arith.addi %mul3A_193, %add3A_194 : vector<16xi32>
      %swap3A_196 = arith.index_cast %scan3A_103 : i32 to index
      %swap3A_197 = arith.constant 96 : index
      %swap3A_198 = tpu.vector_load %arg8[%swap3A_196, %swap3A_197] {strides = array<i32>} : memref<160x128xi32, #tpu.memory_space<vmem>>, vector<1x16xi32>,
      %swap3A_199 = vector.shape_cast %swap3A_198 : vector<1x16xi32> to vector<16xi32>
      %swap3A_200 = vector.shape_cast %add3A_195 : vector<16xi32> to vector<1x16xi32>
      tpu.vector_store %arg8[%swap3A_196, %swap3A_197], %swap3A_200 {strides = array<i32>} : memref<160x128xi32, #tpu.memory_space<vmem>>, vector<1x16xi32>,
      %get3A_201 = arith.index_cast %scan3A_103 : i32 to index
      %get3A_202 = arith.constant 112 : index
      %get3A_203 = tpu.vector_load %arg8[%get3A_201, %get3A_202] {strides = array<i32>} : memref<160x128xi32, #tpu.memory_space<vmem>>, vector<1x16xi32>,
      %get3A_204 = vector.shape_cast %get3A_203 : vector<1x16xi32> to vector<16xi32>
      %mul3A_205 = arith.constant 2 : i32
      %mul3A_206 = vector.broadcast %mul3A_205 : i32 to vector<16xi32>
      %mul3A_207 = arith.muli %get3A_204, %mul3A_206 : vector<16xi32>
      %add3A_208 = vector.broadcast %arg0 : i32 to vector<16xi32>
      %add3A_209 = arith.addi %mul3A_207, %add3A_208 : vector<16xi32>
      %swap3A_210 = arith.index_cast %scan3A_103 : i32 to index
      %swap3A_211 = arith.constant 112 : index
      %swap3A_212 = tpu.vector_load %arg8[%swap3A_210, %swap3A_211] {strides = array<i32>} : memref<160x128xi32, #tpu.memory_space<vmem>>, vector<1x16xi32>,
      %swap3A_213 = vector.shape_cast %swap3A_212 : vector<1x16xi32> to vector<16xi32>
      %swap3A_214 = vector.shape_cast %add3A_209 : vector<16xi32> to vector<1x16xi32>
      tpu.vector_store %arg8[%swap3A_210, %swap3A_211], %swap3A_214 {strides = array<i32>} : memref<160x128xi32, #tpu.memory_space<vmem>>, vector<1x16xi32>,
      %scan3A_215 = arith.constant 0 : i32
      scf.yield %scan3A_215 : i32
    }
    %scan3A_14 = arith.constant 160 : i32
    %dma_start3A = arith.constant 0 : i32
    %dma_start3A_15 = arith.constant 0 : i32
    %dma_start3A_16 = tpu.memref_slice %arg8[%dma_start3A, %dma_start3A_15] : memref<160x128xi32, #tpu.memory_space<vmem>> -> memref<1x128xi32, #tpu.memory_space<vmem>>
    %dma_start3A_17 = tpu.memref_squeeze %dma_start3A_16 : memref<1x128xi32, #tpu.memory_space<vmem>> -> memref<128xi32, #tpu.memory_space<vmem>>
    %dma_start3A_18 = arith.constant 0 : i32
    %dma_start3A_19 = arith.constant 0 : i32
    %dma_start3A_20 = tpu.memref_slice %arg2[%dma_start3A_18, %dma_start3A_19] : memref<20000x64xf32, #tpu.memory_space<hbm>> -> memref<20000x64xf32, #tpu.memory_space<hbm>>
    tpu.enqueue_indirect_dma source(%dma_start3A_20 : memref<20000x64xf32, #tpu.memory_space<hbm>>) target(%arg10 : memref<128x64xf32, #tpu.memory_space<vmem>>) offsets(%dma_start3A_17 : memref<128xi32, #tpu.memory_space<vmem>>) semaphore(%arg17 : memref<!tpu.dma_semaphore, #tpu.memory_space<semaphore_mem>>)
    %dma_start3A_21 = arith.constant 1 : i32
    %dma_start3A_22 = arith.constant 0 : i32
    %dma_start3A_23 = tpu.memref_slice %arg8[%dma_start3A_21, %dma_start3A_22] : memref<160x128xi32, #tpu.memory_space<vmem>> -> memref<1x128xi32, #tpu.memory_space<vmem>>
    %dma_start3A_24 = tpu.memref_squeeze %dma_start3A_23 : memref<1x128xi32, #tpu.memory_space<vmem>> -> memref<128xi32, #tpu.memory_space<vmem>>
    %dma_start3A_25 = arith.constant 0 : i32
    %dma_start3A_26 = arith.constant 0 : i32
    %dma_start3A_27 = tpu.memref_slice %arg2[%dma_start3A_25, %dma_start3A_26] : memref<20000x64xf32, #tpu.memory_space<hbm>> -> memref<20000x64xf32, #tpu.memory_space<hbm>>
    tpu.enqueue_indirect_dma source(%dma_start3A_27 : memref<20000x64xf32, #tpu.memory_space<hbm>>) target(%arg11 : memref<128x64xf32, #tpu.memory_space<vmem>>) offsets(%dma_start3A_24 : memref<128xi32, #tpu.memory_space<vmem>>) semaphore(%arg18 : memref<!tpu.dma_semaphore, #tpu.memory_space<semaphore_mem>>)
    %dma_start3A_28 = arith.constant 2 : i32
    %dma_start3A_29 = arith.constant 0 : i32
    %dma_start3A_30 = tpu.memref_slice %arg8[%dma_start3A_28, %dma_start3A_29] : memref<160x128xi32, #tpu.memory_space<vmem>> -> memref<1x128xi32, #tpu.memory_space<vmem>>
    %dma_start3A_31 = tpu.memref_squeeze %dma_start3A_30 : memref<1x128xi32, #tpu.memory_space<vmem>> -> memref<128xi32, #tpu.memory_space<vmem>>
    %dma_start3A_32 = arith.constant 0 : i32
    %dma_start3A_33 = arith.constant 0 : i32
    %dma_start3A_34 = tpu.memref_slice %arg2[%dma_start3A_32, %dma_start3A_33] : memref<20000x64xf32, #tpu.memory_space<hbm>> -> memref<20000x64xf32, #tpu.memory_space<hbm>>
    tpu.enqueue_indirect_dma source(%dma_start3A_34 : memref<20000x64xf32, #tpu.memory_space<hbm>>) target(%arg12 : memref<128x64xf32, #tpu.memory_space<vmem>>) offsets(%dma_start3A_31 : memref<128xi32, #tpu.memory_space<vmem>>) semaphore(%arg19 : memref<!tpu.dma_semaphore, #tpu.memory_space<semaphore_mem>>)
    %scan3A_35 = arith.constant 0 : i32
    %scan3A_36 = arith.constant 0 : i32
    %scan3A_37 = arith.constant 128 : i32
    %scan3A_38 = arith.addi %scan3A_36, %scan3A_37 : i32
    %scan3A_39 = arith.constant 1 : i32
    %scan3A_40 = scf.for %scan3A_103 = %scan3A_36 to %scan3A_38 step %scan3A_39 iter_args(%scan3A_104 = %scan3A_35) -> (i32)  : i32 {
      %broadcast_in_dim3A = arith.constant 0.000000e+00 : f32
      %broadcast_in_dim3A_105 = vector.broadcast %broadcast_in_dim3A : f32 to vector<16xf32>
      %swap3A = arith.index_cast %scan3A_103 : i32 to index
      %swap3A_106 = arith.constant 0 : index
      %swap3A_107 = tpu.vector_load %arg13[%swap3A, %swap3A_106] {strides = array<i32>} : memref<128x64xf32, #tpu.memory_space<vmem>>, vector<1x16xf32>,
      %swap3A_108 = vector.shape_cast %swap3A_107 : vector<1x16xf32> to vector<16xf32>
      %swap3A_109 = vector.shape_cast %broadcast_in_dim3A_105 : vector<16xf32> to vector<1x16xf32>
      tpu.vector_store %arg13[%swap3A, %swap3A_106], %swap3A_109 {strides = array<i32>} : memref<128x64xf32, #tpu.memory_space<vmem>>, vector<1x16xf32>,
      %broadcast_in_dim3A_110 = arith.constant 0.000000e+00 : f32
      %broadcast_in_dim3A_111 = vector.broadcast %broadcast_in_dim3A_110 : f32 to vector<16xf32>
      %swap3A_112 = arith.index_cast %scan3A_103 : i32 to index
      %swap3A_113 = arith.constant 16 : index
      %swap3A_114 = tpu.vector_load %arg13[%swap3A_112, %swap3A_113] {strides = array<i32>} : memref<128x64xf32, #tpu.memory_space<vmem>>, vector<1x16xf32>,
      %swap3A_115 = vector.shape_cast %swap3A_114 : vector<1x16xf32> to vector<16xf32>
      %swap3A_116 = vector.shape_cast %broadcast_in_dim3A_111 : vector<16xf32> to vector<1x16xf32>
      tpu.vector_store %arg13[%swap3A_112, %swap3A_113], %swap3A_116 {strides = array<i32>} : memref<128x64xf32, #tpu.memory_space<vmem>>, vector<1x16xf32>,
      %broadcast_in_dim3A_117 = arith.constant 0.000000e+00 : f32
      %broadcast_in_dim3A_118 = vector.broadcast %broadcast_in_dim3A_117 : f32 to vector<16xf32>
      %swap3A_119 = arith.index_cast %scan3A_103 : i32 to index
      %swap3A_120 = arith.constant 32 : index
      %swap3A_121 = tpu.vector_load %arg13[%swap3A_119, %swap3A_120] {strides = array<i32>} : memref<128x64xf32, #tpu.memory_space<vmem>>, vector<1x16xf32>,
      %swap3A_122 = vector.shape_cast %swap3A_121 : vector<1x16xf32> to vector<16xf32>
      %swap3A_123 = vector.shape_cast %broadcast_in_dim3A_118 : vector<16xf32> to vector<1x16xf32>
      tpu.vector_store %arg13[%swap3A_119, %swap3A_120], %swap3A_123 {strides = array<i32>} : memref<128x64xf32, #tpu.memory_space<vmem>>, vector<1x16xf32>,
      %broadcast_in_dim3A_124 = arith.constant 0.000000e+00 : f32
      %broadcast_in_dim3A_125 = vector.broadcast %broadcast_in_dim3A_124 : f32 to vector<16xf32>
      %swap3A_126 = arith.index_cast %scan3A_103 : i32 to index
      %swap3A_127 = arith.constant 48 : index
      %swap3A_128 = tpu.vector_load %arg13[%swap3A_126, %swap3A_127] {strides = array<i32>} : memref<128x64xf32, #tpu.memory_space<vmem>>, vector<1x16xf32>,
      %swap3A_129 = vector.shape_cast %swap3A_128 : vector<1x16xf32> to vector<16xf32>
      %swap3A_130 = vector.shape_cast %broadcast_in_dim3A_125 : vector<16xf32> to vector<1x16xf32>
      tpu.vector_store %arg13[%swap3A_126, %swap3A_127], %swap3A_130 {strides = array<i32>} : memref<128x64xf32, #tpu.memory_space<vmem>>, vector<1x16xf32>,
      %broadcast_in_dim3A_131 = arith.constant 0.000000e+00 : f32
      %broadcast_in_dim3A_132 = vector.broadcast %broadcast_in_dim3A_131 : f32 to vector<16xf32>
      %swap3A_133 = arith.index_cast %scan3A_103 : i32 to index
      %swap3A_134 = arith.constant 0 : index
      %swap3A_135 = tpu.vector_load %arg14[%swap3A_133, %swap3A_134] {strides = array<i32>} : memref<128x16xf32, #tpu.memory_space<vmem>>, vector<1x16xf32>,
      %swap3A_136 = vector.shape_cast %swap3A_135 : vector<1x16xf32> to vector<16xf32>
      %swap3A_137 = vector.shape_cast %broadcast_in_dim3A_132 : vector<16xf32> to vector<1x16xf32>
      tpu.vector_store %arg14[%swap3A_133, %swap3A_134], %swap3A_137 {strides = array<i32>} : memref<128x16xf32, #tpu.memory_space<vmem>>, vector<1x16xf32>,
      %scan3A_138 = arith.constant 0 : i32
      scf.yield %scan3A_138 : i32
    }
    %scan3A_41 = arith.constant 128 : i32
    %add3A = arith.constant 0 : i32
    %add3A_42 = arith.addi %mul3A_0, %add3A : i32
    "tpu.region"() ({
      %run_scoped3A = tpu.sem_alloc : memref<!tpu.dma_semaphore, #tpu.memory_space<semaphore_mem>>
      %dma_start3A_103 = arith.constant 0 : i32
      %dma_start3A_104 = tpu.memref_slice %arg15[%add3A_42, %dma_start3A_103] : memref<10240x64xf32, #tpu.memory_space<vmem_shared>> -> memref<128x64xf32, #tpu.memory_space<vmem_shared>>
      %dma_start3A_105 = arith.constant 0 : i32
      %dma_start3A_106 = tpu.memref_slice %arg15[%add3A_42, %dma_start3A_105] : memref<10240x64xf32, #tpu.memory_space<vmem_shared>> -> memref<128x64xf32, #tpu.memory_space<vmem_shared>>
      tpu.enqueue_dma source(%arg13 : memref<128x64xf32, #tpu.memory_space<vmem>>) target(%dma_start3A_106 : memref<128x64xf32, #tpu.memory_space<vmem_shared>>) target_semaphore(%run_scoped3A : memref<!tpu.dma_semaphore, #tpu.memory_space<semaphore_mem>>)
      %dma_wait3A_107 = arith.constant 0 : i32
      %dma_wait3A_108 = tpu.memref_slice %arg15[%add3A_42, %dma_wait3A_107] : memref<10240x64xf32, #tpu.memory_space<vmem_shared>> -> memref<128x64xf32, #tpu.memory_space<vmem_shared>>
      %dma_wait3A_109 = arith.constant 0 : i32
      %dma_wait3A_110 = tpu.memref_slice %arg15[%add3A_42, %dma_wait3A_109] : memref<10240x64xf32, #tpu.memory_space<vmem_shared>> -> memref<128x64xf32, #tpu.memory_space<vmem_shared>>
      tpu.wait_dma2 semaphore(%run_scoped3A : memref<!tpu.dma_semaphore, #tpu.memory_space<semaphore_mem>>) src(%arg13 : memref<128x64xf32, #tpu.memory_space<vmem>>) dst(%dma_wait3A_110 : memref<128x64xf32, #tpu.memory_space<vmem_shared>>)
      tpu.yield
    }) : () -> ()
    "tpu.region"() ({
      %run_scoped3A = tpu.sem_alloc : memref<!tpu.dma_semaphore, #tpu.memory_space<semaphore_mem>>
      %dma_start3A_103 = arith.constant 0 : i32
      %dma_start3A_104 = tpu.memref_slice %arg16[%add3A_42, %dma_start3A_103] : memref<10240x16xf32, #tpu.memory_space<vmem_shared>> -> memref<128x16xf32, #tpu.memory_space<vmem_shared>>
      %dma_start3A_105 = arith.constant 0 : i32
      %dma_start3A_106 = tpu.memref_slice %arg16[%add3A_42, %dma_start3A_105] : memref<10240x16xf32, #tpu.memory_space<vmem_shared>> -> memref<128x16xf32, #tpu.memory_space<vmem_shared>>
      tpu.enqueue_dma source(%arg14 : memref<128x16xf32, #tpu.memory_space<vmem>>) target(%dma_start3A_106 : memref<128x16xf32, #tpu.memory_space<vmem_shared>>) target_semaphore(%run_scoped3A : memref<!tpu.dma_semaphore, #tpu.memory_space<semaphore_mem>>)
      %dma_wait3A_107 = arith.constant 0 : i32
      %dma_wait3A_108 = tpu.memref_slice %arg16[%add3A_42, %dma_wait3A_107] : memref<10240x16xf32, #tpu.memory_space<vmem_shared>> -> memref<128x16xf32, #tpu.memory_space<vmem_shared>>
      %dma_wait3A_109 = arith.constant 0 : i32
      %dma_wait3A_110 = tpu.memref_slice %arg16[%add3A_42, %dma_wait3A_109] : memref<10240x16xf32, #tpu.memory_space<vmem_shared>> -> memref<128x16xf32, #tpu.memory_space<vmem_shared>>
      tpu.wait_dma2 semaphore(%run_scoped3A : memref<!tpu.dma_semaphore, #tpu.memory_space<semaphore_mem>>) src(%arg14 : memref<128x16xf32, #tpu.memory_space<vmem>>) dst(%dma_wait3A_110 : memref<128x16xf32, #tpu.memory_space<vmem_shared>>)
      tpu.yield
    }) : () -> ()
    %add3A_43 = arith.constant 128 : i32
    %add3A_44 = arith.addi %mul3A_0, %add3A_43 : i32
    "tpu.region"() ({
      %run_scoped3A = tpu.sem_alloc : memref<!tpu.dma_semaphore, #tpu.memory_space<semaphore_mem>>
      %dma_start3A_103 = arith.constant 0 : i32
      %dma_start3A_104 = tpu.memref_slice %arg15[%add3A_44, %dma_start3A_103] : memref<10240x64xf32, #tpu.memory_space<vmem_shared>> -> memref<128x64xf32, #tpu.memory_space<vmem_shared>>
      %dma_start3A_105 = arith.constant 0 : i32
      %dma_start3A_106 = tpu.memref_slice %arg15[%add3A_44, %dma_start3A_105] : memref<10240x64xf32, #tpu.memory_space<vmem_shared>> -> memref<128x64xf32, #tpu.memory_space<vmem_shared>>
      tpu.enqueue_dma source(%arg13 : memref<128x64xf32, #tpu.memory_space<vmem>>) target(%dma_start3A_106 : memref<128x64xf32, #tpu.memory_space<vmem_shared>>) target_semaphore(%run_scoped3A : memref<!tpu.dma_semaphore, #tpu.memory_space<semaphore_mem>>)
      %dma_wait3A_107 = arith.constant 0 : i32
      %dma_wait3A_108 = tpu.memref_slice %arg15[%add3A_44, %dma_wait3A_107] : memref<10240x64xf32, #tpu.memory_space<vmem_shared>> -> memref<128x64xf32, #tpu.memory_space<vmem_shared>>
      %dma_wait3A_109 = arith.constant 0 : i32
      %dma_wait3A_110 = tpu.memref_slice %arg15[%add3A_44, %dma_wait3A_109] : memref<10240x64xf32, #tpu.memory_space<vmem_shared>> -> memref<128x64xf32, #tpu.memory_space<vmem_shared>>
      tpu.wait_dma2 semaphore(%run_scoped3A : memref<!tpu.dma_semaphore, #tpu.memory_space<semaphore_mem>>) src(%arg13 : memref<128x64xf32, #tpu.memory_space<vmem>>) dst(%dma_wait3A_110 : memref<128x64xf32, #tpu.memory_space<vmem_shared>>)
      tpu.yield
    }) : () -> ()
    "tpu.region"() ({
      %run_scoped3A = tpu.sem_alloc : memref<!tpu.dma_semaphore, #tpu.memory_space<semaphore_mem>>
      %dma_start3A_103 = arith.constant 0 : i32
      %dma_start3A_104 = tpu.memref_slice %arg16[%add3A_44, %dma_start3A_103] : memref<10240x16xf32, #tpu.memory_space<vmem_shared>> -> memref<128x16xf32, #tpu.memory_space<vmem_shared>>
      %dma_start3A_105 = arith.constant 0 : i32
      %dma_start3A_106 = tpu.memref_slice %arg16[%add3A_44, %dma_start3A_105] : memref<10240x16xf32, #tpu.memory_space<vmem_shared>> -> memref<128x16xf32, #tpu.memory_space<vmem_shared>>
      tpu.enqueue_dma source(%arg14 : memref<128x16xf32, #tpu.memory_space<vmem>>) target(%dma_start3A_106 : memref<128x16xf32, #tpu.memory_space<vmem_shared>>) target_semaphore(%run_scoped3A : memref<!tpu.dma_semaphore, #tpu.memory_space<semaphore_mem>>)
      %dma_wait3A_107 = arith.constant 0 : i32
      %dma_wait3A_108 = tpu.memref_slice %arg16[%add3A_44, %dma_wait3A_107] : memref<10240x16xf32, #tpu.memory_space<vmem_shared>> -> memref<128x16xf32, #tpu.memory_space<vmem_shared>>
      %dma_wait3A_109 = arith.constant 0 : i32
      %dma_wait3A_110 = tpu.memref_slice %arg16[%add3A_44, %dma_wait3A_109] : memref<10240x16xf32, #tpu.memory_space<vmem_shared>> -> memref<128x16xf32, #tpu.memory_space<vmem_shared>>
      tpu.wait_dma2 semaphore(%run_scoped3A : memref<!tpu.dma_semaphore, #tpu.memory_space<semaphore_mem>>) src(%arg14 : memref<128x16xf32, #tpu.memory_space<vmem>>) dst(%dma_wait3A_110 : memref<128x16xf32, #tpu.memory_space<vmem_shared>>)
      tpu.yield
    }) : () -> ()
    %add3A_45 = arith.constant 256 : i32
    %add3A_46 = arith.addi %mul3A_0, %add3A_45 : i32
    "tpu.region"() ({
      %run_scoped3A = tpu.sem_alloc : memref<!tpu.dma_semaphore, #tpu.memory_space<semaphore_mem>>
      %dma_start3A_103 = arith.constant 0 : i32
      %dma_start3A_104 = tpu.memref_slice %arg15[%add3A_46, %dma_start3A_103] : memref<10240x64xf32, #tpu.memory_space<vmem_shared>> -> memref<128x64xf32, #tpu.memory_space<vmem_shared>>
      %dma_start3A_105 = arith.constant 0 : i32
      %dma_start3A_106 = tpu.memref_slice %arg15[%add3A_46, %dma_start3A_105] : memref<10240x64xf32, #tpu.memory_space<vmem_shared>> -> memref<128x64xf32, #tpu.memory_space<vmem_shared>>
      tpu.enqueue_dma source(%arg13 : memref<128x64xf32, #tpu.memory_space<vmem>>) target(%dma_start3A_106 : memref<128x64xf32, #tpu.memory_space<vmem_shared>>) target_semaphore(%run_scoped3A : memref<!tpu.dma_semaphore, #tpu.memory_space<semaphore_mem>>)
      %dma_wait3A_107 = arith.constant 0 : i32
      %dma_wait3A_108 = tpu.memref_slice %arg15[%add3A_46, %dma_wait3A_107] : memref<10240x64xf32, #tpu.memory_space<vmem_shared>> -> memref<128x64xf32, #tpu.memory_space<vmem_shared>>
      %dma_wait3A_109 = arith.constant 0 : i32
      %dma_wait3A_110 = tpu.memref_slice %arg15[%add3A_46, %dma_wait3A_109] : memref<10240x64xf32, #tpu.memory_space<vmem_shared>> -> memref<128x64xf32, #tpu.memory_space<vmem_shared>>
      tpu.wait_dma2 semaphore(%run_scoped3A : memref<!tpu.dma_semaphore, #tpu.memory_space<semaphore_mem>>) src(%arg13 : memref<128x64xf32, #tpu.memory_space<vmem>>) dst(%dma_wait3A_110 : memref<128x64xf32, #tpu.memory_space<vmem_shared>>)
      tpu.yield
    }) : () -> ()
    "tpu.region"() ({
      %run_scoped3A = tpu.sem_alloc : memref<!tpu.dma_semaphore, #tpu.memory_space<semaphore_mem>>
      %dma_start3A_103 = arith.constant 0 : i32
      %dma_start3A_104 = tpu.memref_slice %arg16[%add3A_46, %dma_start3A_103] : memref<10240x16xf32, #tpu.memory_space<vmem_shared>> -> memref<128x16xf32, #tpu.memory_space<vmem_shared>>
      %dma_start3A_105 = arith.constant 0 : i32
      %dma_start3A_106 = tpu.memref_slice %arg16[%add3A_46, %dma_start3A_105] : memref<10240x16xf32, #tpu.memory_space<vmem_shared>> -> memref<128x16xf32, #tpu.memory_space<vmem_shared>>
      tpu.enqueue_dma source(%arg14 : memref<128x16xf32, #tpu.memory_space<vmem>>) target(%dma_start3A_106 : memref<128x16xf32, #tpu.memory_space<vmem_shared>>) target_semaphore(%run_scoped3A : memref<!tpu.dma_semaphore, #tpu.memory_space<semaphore_mem>>)
      %dma_wait3A_107 = arith.constant 0 : i32
      %dma_wait3A_108 = tpu.memref_slice %arg16[%add3A_46, %dma_wait3A_107] : memref<10240x16xf32, #tpu.memory_space<vmem_shared>> -> memref<128x16xf32, #tpu.memory_space<vmem_shared>>
      %dma_wait3A_109 = arith.constant 0 : i32
      %dma_wait3A_110 = tpu.memref_slice %arg16[%add3A_46, %dma_wait3A_109] : memref<10240x16xf32, #tpu.memory_space<vmem_shared>> -> memref<128x16xf32, #tpu.memory_space<vmem_shared>>
      tpu.wait_dma2 semaphore(%run_scoped3A : memref<!tpu.dma_semaphore, #tpu.memory_space<semaphore_mem>>) src(%arg14 : memref<128x16xf32, #tpu.memory_space<vmem>>) dst(%dma_wait3A_110 : memref<128x16xf32, #tpu.memory_space<vmem_shared>>)
      tpu.yield
    }) : () -> ()
    %add3A_47 = arith.constant 384 : i32
    %add3A_48 = arith.addi %mul3A_0, %add3A_47 : i32
    "tpu.region"() ({
      %run_scoped3A = tpu.sem_alloc : memref<!tpu.dma_semaphore, #tpu.memory_space<semaphore_mem>>
      %dma_start3A_103 = arith.constant 0 : i32
      %dma_start3A_104 = tpu.memref_slice %arg15[%add3A_48, %dma_start3A_103] : memref<10240x64xf32, #tpu.memory_space<vmem_shared>> -> memref<128x64xf32, #tpu.memory_space<vmem_shared>>
      %dma_start3A_105 = arith.constant 0 : i32
      %dma_start3A_106 = tpu.memref_slice %arg15[%add3A_48, %dma_start3A_105] : memref<10240x64xf32, #tpu.memory_space<vmem_shared>> -> memref<128x64xf32, #tpu.memory_space<vmem_shared>>
      tpu.enqueue_dma source(%arg13 : memref<128x64xf32, #tpu.memory_space<vmem>>) target(%dma_start3A_106 : memref<128x64xf32, #tpu.memory_space<vmem_shared>>) target_semaphore(%run_scoped3A : memref<!tpu.dma_semaphore, #tpu.memory_space<semaphore_mem>>)
      %dma_wait3A_107 = arith.constant 0 : i32
      %dma_wait3A_108 = tpu.memref_slice %arg15[%add3A_48, %dma_wait3A_107] : memref<10240x64xf32, #tpu.memory_space<vmem_shared>> -> memref<128x64xf32, #tpu.memory_space<vmem_shared>>
      %dma_wait3A_109 = arith.constant 0 : i32
      %dma_wait3A_110 = tpu.memref_slice %arg15[%add3A_48, %dma_wait3A_109] : memref<10240x64xf32, #tpu.memory_space<vmem_shared>> -> memref<128x64xf32, #tpu.memory_space<vmem_shared>>
      tpu.wait_dma2 semaphore(%run_scoped3A : memref<!tpu.dma_semaphore, #tpu.memory_space<semaphore_mem>>) src(%arg13 : memref<128x64xf32, #tpu.memory_space<vmem>>) dst(%dma_wait3A_110 : memref<128x64xf32, #tpu.memory_space<vmem_shared>>)
      tpu.yield
    }) : () -> ()
    "tpu.region"() ({
      %run_scoped3A = tpu.sem_alloc : memref<!tpu.dma_semaphore, #tpu.memory_space<semaphore_mem>>
      %dma_start3A_103 = arith.constant 0 : i32
      %dma_start3A_104 = tpu.memref_slice %arg16[%add3A_48, %dma_start3A_103] : memref<10240x16xf32, #tpu.memory_space<vmem_shared>> -> memref<128x16xf32, #tpu.memory_space<vmem_shared>>
      %dma_start3A_105 = arith.constant 0 : i32
      %dma_start3A_106 = tpu.memref_slice %arg16[%add3A_48, %dma_start3A_105] : memref<10240x16xf32, #tpu.memory_space<vmem_shared>> -> memref<128x16xf32, #tpu.memory_space<vmem_shared>>
      tpu.enqueue_dma source(%arg14 : memref<128x16xf32, #tpu.memory_space<vmem>>) target(%dma_start3A_106 : memref<128x16xf32, #tpu.memory_space<vmem_shared>>) target_semaphore(%run_scoped3A : memref<!tpu.dma_semaphore, #tpu.memory_space<semaphore_mem>>)
      %dma_wait3A_107 = arith.constant 0 : i32
      %dma_wait3A_108 = tpu.memref_slice %arg16[%add3A_48, %dma_wait3A_107] : memref<10240x16xf32, #tpu.memory_space<vmem_shared>> -> memref<128x16xf32, #tpu.memory_space<vmem_shared>>
      %dma_wait3A_109 = arith.constant 0 : i32
      %dma_wait3A_110 = tpu.memref_slice %arg16[%add3A_48, %dma_wait3A_109] : memref<10240x16xf32, #tpu.memory_space<vmem_shared>> -> memref<128x16xf32, #tpu.memory_space<vmem_shared>>
      tpu.wait_dma2 semaphore(%run_scoped3A : memref<!tpu.dma_semaphore, #tpu.memory_space<semaphore_mem>>) src(%arg14 : memref<128x16xf32, #tpu.memory_space<vmem>>) dst(%dma_wait3A_110 : memref<128x16xf32, #tpu.memory_space<vmem_shared>>)
      tpu.yield
    }) : () -> ()
    %add3A_49 = arith.constant 512 : i32
    %add3A_50 = arith.addi %mul3A_0, %add3A_49 : i32
    "tpu.region"() ({
      %run_scoped3A = tpu.sem_alloc : memref<!tpu.dma_semaphore, #tpu.memory_space<semaphore_mem>>
      %dma_start3A_103 = arith.constant 0 : i32
      %dma_start3A_104 = tpu.memref_slice %arg15[%add3A_50, %dma_start3A_103] : memref<10240x64xf32, #tpu.memory_space<vmem_shared>> -> memref<128x64xf32, #tpu.memory_space<vmem_shared>>
      %dma_start3A_105 = arith.constant 0 : i32
      %dma_start3A_106 = tpu.memref_slice %arg15[%add3A_50, %dma_start3A_105] : memref<10240x64xf32, #tpu.memory_space<vmem_shared>> -> memref<128x64xf32, #tpu.memory_space<vmem_shared>>
      tpu.enqueue_dma source(%arg13 : memref<128x64xf32, #tpu.memory_space<vmem>>) target(%dma_start3A_106 : memref<128x64xf32, #tpu.memory_space<vmem_shared>>) target_semaphore(%run_scoped3A : memref<!tpu.dma_semaphore, #tpu.memory_space<semaphore_mem>>)
      %dma_wait3A_107 = arith.constant 0 : i32
      %dma_wait3A_108 = tpu.memref_slice %arg15[%add3A_50, %dma_wait3A_107] : memref<10240x64xf32, #tpu.memory_space<vmem_shared>> -> memref<128x64xf32, #tpu.memory_space<vmem_shared>>
      %dma_wait3A_109 = arith.constant 0 : i32
      %dma_wait3A_110 = tpu.memref_slice %arg15[%add3A_50, %dma_wait3A_109] : memref<10240x64xf32, #tpu.memory_space<vmem_shared>> -> memref<128x64xf32, #tpu.memory_space<vmem_shared>>
      tpu.wait_dma2 semaphore(%run_scoped3A : memref<!tpu.dma_semaphore, #tpu.memory_space<semaphore_mem>>) src(%arg13 : memref<128x64xf32, #tpu.memory_space<vmem>>) dst(%dma_wait3A_110 : memref<128x64xf32, #tpu.memory_space<vmem_shared>>)
      tpu.yield
    }) : () -> ()
    "tpu.region"() ({
      %run_scoped3A = tpu.sem_alloc : memref<!tpu.dma_semaphore, #tpu.memory_space<semaphore_mem>>
      %dma_start3A_103 = arith.constant 0 : i32
      %dma_start3A_104 = tpu.memref_slice %arg16[%add3A_50, %dma_start3A_103] : memref<10240x16xf32, #tpu.memory_space<vmem_shared>> -> memref<128x16xf32, #tpu.memory_space<vmem_shared>>
      %dma_start3A_105 = arith.constant 0 : i32
      %dma_start3A_106 = tpu.memref_slice %arg16[%add3A_50, %dma_start3A_105] : memref<10240x16xf32, #tpu.memory_space<vmem_shared>> -> memref<128x16xf32, #tpu.memory_space<vmem_shared>>
      tpu.enqueue_dma source(%arg14 : memref<128x16xf32, #tpu.memory_space<vmem>>) target(%dma_start3A_106 : memref<128x16xf32, #tpu.memory_space<vmem_shared>>) target_semaphore(%run_scoped3A : memref<!tpu.dma_semaphore, #tpu.memory_space<semaphore_mem>>)
      %dma_wait3A_107 = arith.constant 0 : i32
      %dma_wait3A_108 = tpu.memref_slice %arg16[%add3A_50, %dma_wait3A_107] : memref<10240x16xf32, #tpu.memory_space<vmem_shared>> -> memref<128x16xf32, #tpu.memory_space<vmem_shared>>
      %dma_wait3A_109 = arith.constant 0 : i32
      %dma_wait3A_110 = tpu.memref_slice %arg16[%add3A_50, %dma_wait3A_109] : memref<10240x16xf32, #tpu.memory_space<vmem_shared>> -> memref<128x16xf32, #tpu.memory_space<vmem_shared>>
      tpu.wait_dma2 semaphore(%run_scoped3A : memref<!tpu.dma_semaphore, #tpu.memory_space<semaphore_mem>>) src(%arg14 : memref<128x16xf32, #tpu.memory_space<vmem>>) dst(%dma_wait3A_110 : memref<128x16xf32, #tpu.memory_space<vmem_shared>>)
      tpu.yield
    }) : () -> ()
    %scan3A_51 = arith.constant 0 : i32
    %scan3A_52 = arith.constant 0 : i32
    %scan3A_53 = arith.constant 128 : i32
    %scan3A_54 = arith.addi %scan3A_52, %scan3A_53 : i32
    %scan3A_55 = arith.constant 1 : i32
    %scan3A_56 = scf.for %scan3A_103 = %scan3A_52 to %scan3A_54 step %scan3A_55 iter_args(%scan3A_104 = %scan3A_51) -> (i32)  : i32 {
      %broadcast_in_dim3A = arith.constant 1.000000e+00 : f32
      %broadcast_in_dim3A_105 = vector.broadcast %broadcast_in_dim3A : f32 to vector<16xf32>
      %swap3A = arith.index_cast %scan3A_103 : i32 to index
      %swap3A_106 = arith.constant 0 : index
      %swap3A_107 = tpu.vector_load %arg14[%swap3A, %swap3A_106] {strides = array<i32>} : memref<128x16xf32, #tpu.memory_space<vmem>>, vector<1x16xf32>,
      %swap3A_108 = vector.shape_cast %swap3A_107 : vector<1x16xf32> to vector<16xf32>
      %swap3A_109 = vector.shape_cast %broadcast_in_dim3A_105 : vector<16xf32> to vector<1x16xf32>
      tpu.vector_store %arg14[%swap3A, %swap3A_106], %swap3A_109 {strides = array<i32>} : memref<128x16xf32, #tpu.memory_space<vmem>>, vector<1x16xf32>,
      %scan3A_110 = arith.constant 0 : i32
      scf.yield %scan3A_110 : i32
    }
    %scan3A_57 = arith.constant 128 : i32
    %barrier3A = arith.constant 0 : index
    tpu.barrier barrier_id(%barrier3A)
    %scan3A_58 = arith.constant 0 : i32
    %scan3A_59 = arith.constant 0 : i32
    %scan3A_60 = arith.constant 40 : i32
    %scan3A_61 = arith.addi %scan3A_59, %scan3A_60 : i32
    %scan3A_62 = arith.constant 1 : i32
    %scan3A_63 = scf.for %scan3A_103 = %scan3A_59 to %scan3A_61 step %scan3A_62 iter_args(%scan3A_104 = %scan3A_58) -> (i32)  : i32 {
      %mul3A_105 = arith.constant 4 : i32
      %mul3A_106 = arith.muli %mul3A_105, %scan3A_103 : i32
      %add3A_107 = arith.constant 0 : i32
      %add3A_108 = arith.addi %mul3A_106, %add3A_107 : i32
      %dma_wait3A_109 = arith.constant 0 : i32
      %dma_wait3A_110 = arith.constant 0 : i32
      %dma_wait3A_111 = tpu.memref_slice %arg2[%dma_wait3A_109, %dma_wait3A_110] : memref<20000x64xf32, #tpu.memory_space<hbm>> -> memref<128x64xf32, #tpu.memory_space<hbm>>
      %dma_wait3A_112 = arith.constant 0 : i32
      %dma_wait3A_113 = arith.constant 0 : i32
      %dma_wait3A_114 = tpu.memref_slice %arg2[%dma_wait3A_112, %dma_wait3A_113] : memref<20000x64xf32, #tpu.memory_space<hbm>> -> memref<128x64xf32, #tpu.memory_space<hbm>>
      tpu.wait_dma2 semaphore(%arg17 : memref<!tpu.dma_semaphore, #tpu.memory_space<semaphore_mem>>) src(%dma_wait3A_114 : memref<128x64xf32, #tpu.memory_space<hbm>>) dst(%arg10 : memref<128x64xf32, #tpu.memory_space<vmem>>)
      %dma_start3A_115 = arith.constant 0 : i32
      %dma_start3A_116 = tpu.memref_slice %arg9[%add3A_108, %dma_start3A_115] : memref<160x128xi32, #tpu.memory_space<vmem>> -> memref<1x128xi32, #tpu.memory_space<vmem>>
      %dma_start3A_117 = tpu.memref_squeeze %dma_start3A_116 : memref<1x128xi32, #tpu.memory_space<vmem>> -> memref<128xi32, #tpu.memory_space<vmem>>
      %dma_start3A_118 = arith.constant 0 : i32
      %dma_start3A_119 = arith.constant 0 : i32
      %dma_start3A_120 = tpu.memref_slice %arg15[%dma_start3A_118, %dma_start3A_119] : memref<10240x64xf32, #tpu.memory_space<vmem_shared>> -> memref<10240x64xf32, #tpu.memory_space<vmem_shared>>
      tpu.enqueue_indirect_dma source(%arg10 : memref<128x64xf32, #tpu.memory_space<vmem>>) target(%dma_start3A_120 : memref<10240x64xf32, #tpu.memory_space<vmem_shared>>) offsets(%dma_start3A_117 : memref<128xi32, #tpu.memory_space<vmem>>) semaphore(%arg21 : memref<!tpu.dma_semaphore, #tpu.memory_space<semaphore_mem>>) {add = true}
      %jit3A = arith.constant 2 : i32
      %eq3A_121 = arith.constant 0 : i32
      %eq3A_122 = arith.cmpi eq, %jit3A, %eq3A_121 : i32
      %jit3A_123 = arith.constant 1 : i32
      %select_n3A = arith.select %eq3A_122, %jit3A_123, %jit3A : i32
      %rem3A = arith.remsi %add3A_108, %select_n3A : i32
      %ne3A = arith.constant 0 : i32
      %ne3A_124 = arith.cmpi ne, %rem3A, %ne3A : i32
      %lt3A_125 = arith.constant 0 : i32
      %lt3A_126 = arith.cmpi slt, %rem3A, %lt3A_125 : i32
      %lt3A_127 = arith.constant 0 : i32
      %lt3A_128 = arith.cmpi slt, %select_n3A, %lt3A_127 : i32
      %ne3A_129 = arith.xori %lt3A_126, %lt3A_128 : i1
      %and3A = arith.andi %ne3A_129, %ne3A_124 : i1
      %add3A_130 = arith.addi %rem3A, %select_n3A : i32
      %select_n3A_131 = arith.select %and3A, %add3A_130, %rem3A : i32
      %eq3A_132 = arith.cmpi eq, %arg0, %select_n3A_131 : i32
      %convert_element_type3A_133 = arith.extui %eq3A_132 : i1 to i32
      %cond3A_134 = arith.constant 0 : i32
      %cond3A_135 = arith.cmpi ne, %convert_element_type3A_133, %cond3A_134 : i32
      scf.if %cond3A_135 {
        "tpu.region"() ({
          %run_scoped3A = tpu.sem_alloc : memref<!tpu.dma_semaphore, #tpu.memory_space<semaphore_mem>>
          %dma_start3A_272 = arith.constant 0 : i32
          %dma_start3A_273 = tpu.memref_slice %arg9[%add3A_108, %dma_start3A_272] : memref<160x128xi32, #tpu.memory_space<vmem>> -> memref<1x128xi32, #tpu.memory_space<vmem>>
          %dma_start3A_274 = tpu.memref_squeeze %dma_start3A_273 : memref<1x128xi32, #tpu.memory_space<vmem>> -> memref<128xi32, #tpu.memory_space<vmem>>
          %dma_start3A_275 = arith.constant 0 : i32
          %dma_start3A_276 = arith.constant 0 : i32
          %dma_start3A_277 = tpu.memref_slice %arg16[%dma_start3A_275, %dma_start3A_276] : memref<10240x16xf32, #tpu.memory_space<vmem_shared>> -> memref<10240x16xf32, #tpu.memory_space<vmem_shared>>
          tpu.enqueue_indirect_dma source(%arg14 : memref<128x16xf32, #tpu.memory_space<vmem>>) target(%dma_start3A_277 : memref<10240x16xf32, #tpu.memory_space<vmem_shared>>) offsets(%dma_start3A_274 : memref<128xi32, #tpu.memory_space<vmem>>) semaphore(%run_scoped3A : memref<!tpu.dma_semaphore, #tpu.memory_space<semaphore_mem>>) {add = true}
          %dma_wait3A_278 = arith.constant 0 : i32
          %dma_wait3A_279 = tpu.memref_slice %arg9[%add3A_108, %dma_wait3A_278] : memref<160x128xi32, #tpu.memory_space<vmem>> -> memref<1x128xi32, #tpu.memory_space<vmem>>
          %dma_wait3A_280 = tpu.memref_squeeze %dma_wait3A_279 : memref<1x128xi32, #tpu.memory_space<vmem>> -> memref<128xi32, #tpu.memory_space<vmem>>
          %dma_wait3A_281 = arith.constant 0 : i32
          %dma_wait3A_282 = arith.constant 0 : i32
          %dma_wait3A_283 = tpu.memref_slice %arg16[%dma_wait3A_281, %dma_wait3A_282] : memref<10240x16xf32, #tpu.memory_space<vmem_shared>> -> memref<10240x16xf32, #tpu.memory_space<vmem_shared>>
          tpu.wait_indirect_dma semaphore(%run_scoped3A : memref<!tpu.dma_semaphore, #tpu.memory_space<semaphore_mem>>) src(%arg14 : memref<128x16xf32, #tpu.memory_space<vmem>>) dst(%dma_wait3A_283 : memref<10240x16xf32, #tpu.memory_space<vmem_shared>>)
          tpu.yield
        }) : () -> ()
      } else {
      }
      %ge3A = arith.constant 1 : i32
      %ge3A_136 = arith.cmpi sge, %scan3A_103, %ge3A : i32
      %convert_element_type3A_137 = arith.extui %ge3A_136 : i1 to i32
      %cond3A_138 = arith.constant 0 : i32
      %cond3A_139 = arith.cmpi ne, %convert_element_type3A_137, %cond3A_138 : i32
      scf.if %cond3A_139 {
        %sub3A = arith.constant 1 : i32
        %sub3A_272 = arith.subi %add3A_108, %sub3A : i32
        %dma_wait3A_273 = arith.constant 0 : i32
        %dma_wait3A_274 = tpu.memref_slice %arg9[%sub3A_272, %dma_wait3A_273] : memref<160x128xi32, #tpu.memory_space<vmem>> -> memref<1x128xi32, #tpu.memory_space<vmem>>
        %dma_wait3A_275 = tpu.memref_squeeze %dma_wait3A_274 : memref<1x128xi32, #tpu.memory_space<vmem>> -> memref<128xi32, #tpu.memory_space<vmem>>
        %dma_wait3A_276 = arith.constant 0 : i32
        %dma_wait3A_277 = arith.constant 0 : i32
        %dma_wait3A_278 = tpu.memref_slice %arg15[%dma_wait3A_276, %dma_wait3A_277] : memref<10240x64xf32, #tpu.memory_space<vmem_shared>> -> memref<10240x64xf32, #tpu.memory_space<vmem_shared>>
        tpu.wait_indirect_dma semaphore(%arg24 : memref<!tpu.dma_semaphore, #tpu.memory_space<semaphore_mem>>) src(%arg13 : memref<128x64xf32, #tpu.memory_space<vmem>>) dst(%dma_wait3A_278 : memref<10240x64xf32, #tpu.memory_space<vmem_shared>>)
      } else {
      }
      %add3A_140 = arith.constant 3 : i32
      %add3A_141 = arith.addi %add3A_108, %add3A_140 : i32
      %dma_start3A_142 = arith.constant 0 : i32
      %dma_start3A_143 = tpu.memref_slice %arg8[%add3A_141, %dma_start3A_142] : memref<160x128xi32, #tpu.memory_space<vmem>> -> memref<1x128xi32, #tpu.memory_space<vmem>>
      %dma_start3A_144 = tpu.memref_squeeze %dma_start3A_143 : memref<1x128xi32, #tpu.memory_space<vmem>> -> memref<128xi32, #tpu.memory_space<vmem>>
      %dma_start3A_145 = arith.constant 0 : i32
      %dma_start3A_146 = arith.constant 0 : i32
      %dma_start3A_147 = tpu.memref_slice %arg2[%dma_start3A_145, %dma_start3A_146] : memref<20000x64xf32, #tpu.memory_space<hbm>> -> memref<20000x64xf32, #tpu.memory_space<hbm>>
      tpu.enqueue_indirect_dma source(%dma_start3A_147 : memref<20000x64xf32, #tpu.memory_space<hbm>>) target(%arg13 : memref<128x64xf32, #tpu.memory_space<vmem>>) offsets(%dma_start3A_144 : memref<128xi32, #tpu.memory_space<vmem>>) semaphore(%arg20 : memref<!tpu.dma_semaphore, #tpu.memory_space<semaphore_mem>>)
      %mul3A_148 = arith.constant 4 : i32
      %mul3A_149 = arith.muli %mul3A_148, %scan3A_103 : i32
      %add3A_150 = arith.constant 1 : i32
      %add3A_151 = arith.addi %mul3A_149, %add3A_150 : i32
      %dma_wait3A_152 = arith.constant 0 : i32
      %dma_wait3A_153 = arith.constant 0 : i32
      %dma_wait3A_154 = tpu.memref_slice %arg2[%dma_wait3A_152, %dma_wait3A_153] : memref<20000x64xf32, #tpu.memory_space<hbm>> -> memref<128x64xf32, #tpu.memory_space<hbm>>
      %dma_wait3A_155 = arith.constant 0 : i32
      %dma_wait3A_156 = arith.constant 0 : i32
      %dma_wait3A_157 = tpu.memref_slice %arg2[%dma_wait3A_155, %dma_wait3A_156] : memref<20000x64xf32, #tpu.memory_space<hbm>> -> memref<128x64xf32, #tpu.memory_space<hbm>>
      tpu.wait_dma2 semaphore(%arg18 : memref<!tpu.dma_semaphore, #tpu.memory_space<semaphore_mem>>) src(%dma_wait3A_157 : memref<128x64xf32, #tpu.memory_space<hbm>>) dst(%arg11 : memref<128x64xf32, #tpu.memory_space<vmem>>)
      %dma_start3A_158 = arith.constant 0 : i32
      %dma_start3A_159 = tpu.memref_slice %arg9[%add3A_151, %dma_start3A_158] : memref<160x128xi32, #tpu.memory_space<vmem>> -> memref<1x128xi32, #tpu.memory_space<vmem>>
      %dma_start3A_160 = tpu.memref_squeeze %dma_start3A_159 : memref<1x128xi32, #tpu.memory_space<vmem>> -> memref<128xi32, #tpu.memory_space<vmem>>
      %dma_start3A_161 = arith.constant 0 : i32
      %dma_start3A_162 = arith.constant 0 : i32
      %dma_start3A_163 = tpu.memref_slice %arg15[%dma_start3A_161, %dma_start3A_162] : memref<10240x64xf32, #tpu.memory_space<vmem_shared>> -> memref<10240x64xf32, #tpu.memory_space<vmem_shared>>
      tpu.enqueue_indirect_dma source(%arg11 : memref<128x64xf32, #tpu.memory_space<vmem>>) target(%dma_start3A_163 : memref<10240x64xf32, #tpu.memory_space<vmem_shared>>) offsets(%dma_start3A_160 : memref<128xi32, #tpu.memory_space<vmem>>) semaphore(%arg22 : memref<!tpu.dma_semaphore, #tpu.memory_space<semaphore_mem>>) {add = true}
      %jit3A_164 = arith.constant 2 : i32
      %eq3A_165 = arith.constant 0 : i32
      %eq3A_166 = arith.cmpi eq, %jit3A_164, %eq3A_165 : i32
      %jit3A_167 = arith.constant 1 : i32
      %select_n3A_168 = arith.select %eq3A_166, %jit3A_167, %jit3A_164 : i32
      %rem3A_169 = arith.remsi %add3A_151, %select_n3A_168 : i32
      %ne3A_170 = arith.constant 0 : i32
      %ne3A_171 = arith.cmpi ne, %rem3A_169, %ne3A_170 : i32
      %lt3A_172 = arith.constant 0 : i32
      %lt3A_173 = arith.cmpi slt, %rem3A_169, %lt3A_172 : i32
      %lt3A_174 = arith.constant 0 : i32
      %lt3A_175 = arith.cmpi slt, %select_n3A_168, %lt3A_174 : i32
      %ne3A_176 = arith.xori %lt3A_173, %lt3A_175 : i1
      %and3A_177 = arith.andi %ne3A_176, %ne3A_171 : i1
      %add3A_178 = arith.addi %rem3A_169, %select_n3A_168 : i32
      %select_n3A_179 = arith.select %and3A_177, %add3A_178, %rem3A_169 : i32
      %eq3A_180 = arith.cmpi eq, %arg0, %select_n3A_179 : i32
      %convert_element_type3A_181 = arith.extui %eq3A_180 : i1 to i32
      %cond3A_182 = arith.constant 0 : i32
      %cond3A_183 = arith.cmpi ne, %convert_element_type3A_181, %cond3A_182 : i32
      scf.if %cond3A_183 {
        "tpu.region"() ({
          %run_scoped3A = tpu.sem_alloc : memref<!tpu.dma_semaphore, #tpu.memory_space<semaphore_mem>>
          %dma_start3A_272 = arith.constant 0 : i32
          %dma_start3A_273 = tpu.memref_slice %arg9[%add3A_151, %dma_start3A_272] : memref<160x128xi32, #tpu.memory_space<vmem>> -> memref<1x128xi32, #tpu.memory_space<vmem>>
          %dma_start3A_274 = tpu.memref_squeeze %dma_start3A_273 : memref<1x128xi32, #tpu.memory_space<vmem>> -> memref<128xi32, #tpu.memory_space<vmem>>
          %dma_start3A_275 = arith.constant 0 : i32
          %dma_start3A_276 = arith.constant 0 : i32
          %dma_start3A_277 = tpu.memref_slice %arg16[%dma_start3A_275, %dma_start3A_276] : memref<10240x16xf32, #tpu.memory_space<vmem_shared>> -> memref<10240x16xf32, #tpu.memory_space<vmem_shared>>
          tpu.enqueue_indirect_dma source(%arg14 : memref<128x16xf32, #tpu.memory_space<vmem>>) target(%dma_start3A_277 : memref<10240x16xf32, #tpu.memory_space<vmem_shared>>) offsets(%dma_start3A_274 : memref<128xi32, #tpu.memory_space<vmem>>) semaphore(%run_scoped3A : memref<!tpu.dma_semaphore, #tpu.memory_space<semaphore_mem>>) {add = true}
          %dma_wait3A_278 = arith.constant 0 : i32
          %dma_wait3A_279 = tpu.memref_slice %arg9[%add3A_151, %dma_wait3A_278] : memref<160x128xi32, #tpu.memory_space<vmem>> -> memref<1x128xi32, #tpu.memory_space<vmem>>
          %dma_wait3A_280 = tpu.memref_squeeze %dma_wait3A_279 : memref<1x128xi32, #tpu.memory_space<vmem>> -> memref<128xi32, #tpu.memory_space<vmem>>
          %dma_wait3A_281 = arith.constant 0 : i32
          %dma_wait3A_282 = arith.constant 0 : i32
          %dma_wait3A_283 = tpu.memref_slice %arg16[%dma_wait3A_281, %dma_wait3A_282] : memref<10240x16xf32, #tpu.memory_space<vmem_shared>> -> memref<10240x16xf32, #tpu.memory_space<vmem_shared>>
          tpu.wait_indirect_dma semaphore(%run_scoped3A : memref<!tpu.dma_semaphore, #tpu.memory_space<semaphore_mem>>) src(%arg14 : memref<128x16xf32, #tpu.memory_space<vmem>>) dst(%dma_wait3A_283 : memref<10240x16xf32, #tpu.memory_space<vmem_shared>>)
          tpu.yield
        }) : () -> ()
      } else {
      }
      %lt3A_184 = arith.constant 39 : i32
      %lt3A_185 = arith.cmpi slt, %scan3A_103, %lt3A_184 : i32
      %convert_element_type3A_186 = arith.extui %lt3A_185 : i1 to i32
      %cond3A_187 = arith.constant 0 : i32
      %cond3A_188 = arith.cmpi ne, %convert_element_type3A_186, %cond3A_187 : i32
      scf.if %cond3A_188 {
        %sub3A = arith.constant 1 : i32
        %sub3A_272 = arith.subi %add3A_151, %sub3A : i32
        %dma_wait3A_273 = arith.constant 0 : i32
        %dma_wait3A_274 = tpu.memref_slice %arg9[%sub3A_272, %dma_wait3A_273] : memref<160x128xi32, #tpu.memory_space<vmem>> -> memref<1x128xi32, #tpu.memory_space<vmem>>
        %dma_wait3A_275 = tpu.memref_squeeze %dma_wait3A_274 : memref<1x128xi32, #tpu.memory_space<vmem>> -> memref<128xi32, #tpu.memory_space<vmem>>
        %dma_wait3A_276 = arith.constant 0 : i32
        %dma_wait3A_277 = arith.constant 0 : i32
        %dma_wait3A_278 = tpu.memref_slice %arg15[%dma_wait3A_276, %dma_wait3A_277] : memref<10240x64xf32, #tpu.memory_space<vmem_shared>> -> memref<10240x64xf32, #tpu.memory_space<vmem_shared>>
        tpu.wait_indirect_dma semaphore(%arg21 : memref<!tpu.dma_semaphore, #tpu.memory_space<semaphore_mem>>) src(%arg10 : memref<128x64xf32, #tpu.memory_space<vmem>>) dst(%dma_wait3A_278 : memref<10240x64xf32, #tpu.memory_space<vmem_shared>>)
        %add3A_279 = arith.constant 3 : i32
        %add3A_280 = arith.addi %add3A_151, %add3A_279 : i32
        %dma_start3A_281 = arith.constant 0 : i32
        %dma_start3A_282 = tpu.memref_slice %arg8[%add3A_280, %dma_start3A_281] : memref<160x128xi32, #tpu.memory_space<vmem>> -> memref<1x128xi32, #tpu.memory_space<vmem>>
        %dma_start3A_283 = tpu.memref_squeeze %dma_start3A_282 : memref<1x128xi32, #tpu.memory_space<vmem>> -> memref<128xi32, #tpu.memory_space<vmem>>
        %dma_start3A_284 = arith.constant 0 : i32
        %dma_start3A_285 = arith.constant 0 : i32
        %dma_start3A_286 = tpu.memref_slice %arg2[%dma_start3A_284, %dma_start3A_285] : memref<20000x64xf32, #tpu.memory_space<hbm>> -> memref<20000x64xf32, #tpu.memory_space<hbm>>
        tpu.enqueue_indirect_dma source(%dma_start3A_286 : memref<20000x64xf32, #tpu.memory_space<hbm>>) target(%arg10 : memref<128x64xf32, #tpu.memory_space<vmem>>) offsets(%dma_start3A_283 : memref<128xi32, #tpu.memory_space<vmem>>) semaphore(%arg17 : memref<!tpu.dma_semaphore, #tpu.memory_space<semaphore_mem>>)
      } else {
      }
      %mul3A_189 = arith.constant 4 : i32
      %mul3A_190 = arith.muli %mul3A_189, %scan3A_103 : i32
      %add3A_191 = arith.constant 2 : i32
      %add3A_192 = arith.addi %mul3A_190, %add3A_191 : i32
      %dma_wait3A_193 = arith.constant 0 : i32
      %dma_wait3A_194 = arith.constant 0 : i32
      %dma_wait3A_195 = tpu.memref_slice %arg2[%dma_wait3A_193, %dma_wait3A_194] : memref<20000x64xf32, #tpu.memory_space<hbm>> -> memref<128x64xf32, #tpu.memory_space<hbm>>
      %dma_wait3A_196 = arith.constant 0 : i32
      %dma_wait3A_197 = arith.constant 0 : i32
      %dma_wait3A_198 = tpu.memref_slice %arg2[%dma_wait3A_196, %dma_wait3A_197] : memref<20000x64xf32, #tpu.memory_space<hbm>> -> memref<128x64xf32, #tpu.memory_space<hbm>>
      tpu.wait_dma2 semaphore(%arg19 : memref<!tpu.dma_semaphore, #tpu.memory_space<semaphore_mem>>) src(%dma_wait3A_198 : memref<128x64xf32, #tpu.memory_space<hbm>>) dst(%arg12 : memref<128x64xf32, #tpu.memory_space<vmem>>)
      %dma_start3A_199 = arith.constant 0 : i32
      %dma_start3A_200 = tpu.memref_slice %arg9[%add3A_192, %dma_start3A_199] : memref<160x128xi32, #tpu.memory_space<vmem>> -> memref<1x128xi32, #tpu.memory_space<vmem>>
      %dma_start3A_201 = tpu.memref_squeeze %dma_start3A_200 : memref<1x128xi32, #tpu.memory_space<vmem>> -> memref<128xi32, #tpu.memory_space<vmem>>
      %dma_start3A_202 = arith.constant 0 : i32
      %dma_start3A_203 = arith.constant 0 : i32
      %dma_start3A_204 = tpu.memref_slice %arg15[%dma_start3A_202, %dma_start3A_203] : memref<10240x64xf32, #tpu.memory_space<vmem_shared>> -> memref<10240x64xf32, #tpu.memory_space<vmem_shared>>
      tpu.enqueue_indirect_dma source(%arg12 : memref<128x64xf32, #tpu.memory_space<vmem>>) target(%dma_start3A_204 : memref<10240x64xf32, #tpu.memory_space<vmem_shared>>) offsets(%dma_start3A_201 : memref<128xi32, #tpu.memory_space<vmem>>) semaphore(%arg23 : memref<!tpu.dma_semaphore, #tpu.memory_space<semaphore_mem>>) {add = true}
      %jit3A_205 = arith.constant 2 : i32
      %eq3A_206 = arith.constant 0 : i32
      %eq3A_207 = arith.cmpi eq, %jit3A_205, %eq3A_206 : i32
      %jit3A_208 = arith.constant 1 : i32
      %select_n3A_209 = arith.select %eq3A_207, %jit3A_208, %jit3A_205 : i32
      %rem3A_210 = arith.remsi %add3A_192, %select_n3A_209 : i32
      %ne3A_211 = arith.constant 0 : i32
      %ne3A_212 = arith.cmpi ne, %rem3A_210, %ne3A_211 : i32
      %lt3A_213 = arith.constant 0 : i32
      %lt3A_214 = arith.cmpi slt, %rem3A_210, %lt3A_213 : i32
      %lt3A_215 = arith.constant 0 : i32
      %lt3A_216 = arith.cmpi slt, %select_n3A_209, %lt3A_215 : i32
      %ne3A_217 = arith.xori %lt3A_214, %lt3A_216 : i1
      %and3A_218 = arith.andi %ne3A_217, %ne3A_212 : i1
      %add3A_219 = arith.addi %rem3A_210, %select_n3A_209 : i32
      %select_n3A_220 = arith.select %and3A_218, %add3A_219, %rem3A_210 : i32
      %eq3A_221 = arith.cmpi eq, %arg0, %select_n3A_220 : i32
      %convert_element_type3A_222 = arith.extui %eq3A_221 : i1 to i32
      %cond3A_223 = arith.constant 0 : i32
      %cond3A_224 = arith.cmpi ne, %convert_element_type3A_222, %cond3A_223 : i32
      scf.if %cond3A_224 {
        "tpu.region"() ({
          %run_scoped3A = tpu.sem_alloc : memref<!tpu.dma_semaphore, #tpu.memory_space<semaphore_mem>>
          %dma_start3A_272 = arith.constant 0 : i32
          %dma_start3A_273 = tpu.memref_slice %arg9[%add3A_192, %dma_start3A_272] : memref<160x128xi32, #tpu.memory_space<vmem>> -> memref<1x128xi32, #tpu.memory_space<vmem>>
          %dma_start3A_274 = tpu.memref_squeeze %dma_start3A_273 : memref<1x128xi32, #tpu.memory_space<vmem>> -> memref<128xi32, #tpu.memory_space<vmem>>
          %dma_start3A_275 = arith.constant 0 : i32
          %dma_start3A_276 = arith.constant 0 : i32
          %dma_start3A_277 = tpu.memref_slice %arg16[%dma_start3A_275, %dma_start3A_276] : memref<10240x16xf32, #tpu.memory_space<vmem_shared>> -> memref<10240x16xf32, #tpu.memory_space<vmem_shared>>
          tpu.enqueue_indirect_dma source(%arg14 : memref<128x16xf32, #tpu.memory_space<vmem>>) target(%dma_start3A_277 : memref<10240x16xf32, #tpu.memory_space<vmem_shared>>) offsets(%dma_start3A_274 : memref<128xi32, #tpu.memory_space<vmem>>) semaphore(%run_scoped3A : memref<!tpu.dma_semaphore, #tpu.memory_space<semaphore_mem>>) {add = true}
          %dma_wait3A_278 = arith.constant 0 : i32
          %dma_wait3A_279 = tpu.memref_slice %arg9[%add3A_192, %dma_wait3A_278] : memref<160x128xi32, #tpu.memory_space<vmem>> -> memref<1x128xi32, #tpu.memory_space<vmem>>
          %dma_wait3A_280 = tpu.memref_squeeze %dma_wait3A_279 : memref<1x128xi32, #tpu.memory_space<vmem>> -> memref<128xi32, #tpu.memory_space<vmem>>
          %dma_wait3A_281 = arith.constant 0 : i32
          %dma_wait3A_282 = arith.constant 0 : i32
          %dma_wait3A_283 = tpu.memref_slice %arg16[%dma_wait3A_281, %dma_wait3A_282] : memref<10240x16xf32, #tpu.memory_space<vmem_shared>> -> memref<10240x16xf32, #tpu.memory_space<vmem_shared>>
          tpu.wait_indirect_dma semaphore(%run_scoped3A : memref<!tpu.dma_semaphore, #tpu.memory_space<semaphore_mem>>) src(%arg14 : memref<128x16xf32, #tpu.memory_space<vmem>>) dst(%dma_wait3A_283 : memref<10240x16xf32, #tpu.memory_space<vmem_shared>>)
          tpu.yield
        }) : () -> ()
      } else {
      }
      %lt3A_225 = arith.constant 39 : i32
      %lt3A_226 = arith.cmpi slt, %scan3A_103, %lt3A_225 : i32
      %convert_element_type3A_227 = arith.extui %lt3A_226 : i1 to i32
      %cond3A_228 = arith.constant 0 : i32
      %cond3A_229 = arith.cmpi ne, %convert_element_type3A_227, %cond3A_228 : i32
      scf.if %cond3A_229 {
        %sub3A = arith.constant 1 : i32
        %sub3A_272 = arith.subi %add3A_192, %sub3A : i32
        %dma_wait3A_273 = arith.constant 0 : i32
        %dma_wait3A_274 = tpu.memref_slice %arg9[%sub3A_272, %dma_wait3A_273] : memref<160x128xi32, #tpu.memory_space<vmem>> -> memref<1x128xi32, #tpu.memory_space<vmem>>
        %dma_wait3A_275 = tpu.memref_squeeze %dma_wait3A_274 : memref<1x128xi32, #tpu.memory_space<vmem>> -> memref<128xi32, #tpu.memory_space<vmem>>
        %dma_wait3A_276 = arith.constant 0 : i32
        %dma_wait3A_277 = arith.constant 0 : i32
        %dma_wait3A_278 = tpu.memref_slice %arg15[%dma_wait3A_276, %dma_wait3A_277] : memref<10240x64xf32, #tpu.memory_space<vmem_shared>> -> memref<10240x64xf32, #tpu.memory_space<vmem_shared>>
        tpu.wait_indirect_dma semaphore(%arg22 : memref<!tpu.dma_semaphore, #tpu.memory_space<semaphore_mem>>) src(%arg11 : memref<128x64xf32, #tpu.memory_space<vmem>>) dst(%dma_wait3A_278 : memref<10240x64xf32, #tpu.memory_space<vmem_shared>>)
        %add3A_279 = arith.constant 3 : i32
        %add3A_280 = arith.addi %add3A_192, %add3A_279 : i32
        %dma_start3A_281 = arith.constant 0 : i32
        %dma_start3A_282 = tpu.memref_slice %arg8[%add3A_280, %dma_start3A_281] : memref<160x128xi32, #tpu.memory_space<vmem>> -> memref<1x128xi32, #tpu.memory_space<vmem>>
        %dma_start3A_283 = tpu.memref_squeeze %dma_start3A_282 : memref<1x128xi32, #tpu.memory_space<vmem>> -> memref<128xi32, #tpu.memory_space<vmem>>
        %dma_start3A_284 = arith.constant 0 : i32
        %dma_start3A_285 = arith.constant 0 : i32
        %dma_start3A_286 = tpu.memref_slice %arg2[%dma_start3A_284, %dma_start3A_285] : memref<20000x64xf32, #tpu.memory_space<hbm>> -> memref<20000x64xf32, #tpu.memory_space<hbm>>
        tpu.enqueue_indirect_dma source(%dma_start3A_286 : memref<20000x64xf32, #tpu.memory_space<hbm>>) target(%arg11 : memref<128x64xf32, #tpu.memory_space<vmem>>) offsets(%dma_start3A_283 : memref<128xi32, #tpu.memory_space<vmem>>) semaphore(%arg18 : memref<!tpu.dma_semaphore, #tpu.memory_space<semaphore_mem>>)
      } else {
      }
      %mul3A_230 = arith.constant 4 : i32
      %mul3A_231 = arith.muli %mul3A_230, %scan3A_103 : i32
      %add3A_232 = arith.constant 3 : i32
      %add3A_233 = arith.addi %mul3A_231, %add3A_232 : i32
      %dma_wait3A_234 = arith.constant 0 : i32
      %dma_wait3A_235 = arith.constant 0 : i32
      %dma_wait3A_236 = tpu.memref_slice %arg2[%dma_wait3A_234, %dma_wait3A_235] : memref<20000x64xf32, #tpu.memory_space<hbm>> -> memref<128x64xf32, #tpu.memory_space<hbm>>
      %dma_wait3A_237 = arith.constant 0 : i32
      %dma_wait3A_238 = arith.constant 0 : i32
      %dma_wait3A_239 = tpu.memref_slice %arg2[%dma_wait3A_237, %dma_wait3A_238] : memref<20000x64xf32, #tpu.memory_space<hbm>> -> memref<128x64xf32, #tpu.memory_space<hbm>>
      tpu.wait_dma2 semaphore(%arg20 : memref<!tpu.dma_semaphore, #tpu.memory_space<semaphore_mem>>) src(%dma_wait3A_239 : memref<128x64xf32, #tpu.memory_space<hbm>>) dst(%arg13 : memref<128x64xf32, #tpu.memory_space<vmem>>)
      %dma_start3A_240 = arith.constant 0 : i32
      %dma_start3A_241 = tpu.memref_slice %arg9[%add3A_233, %dma_start3A_240] : memref<160x128xi32, #tpu.memory_space<vmem>> -> memref<1x128xi32, #tpu.memory_space<vmem>>
      %dma_start3A_242 = tpu.memref_squeeze %dma_start3A_241 : memref<1x128xi32, #tpu.memory_space<vmem>> -> memref<128xi32, #tpu.memory_space<vmem>>
      %dma_start3A_243 = arith.constant 0 : i32
      %dma_start3A_244 = arith.constant 0 : i32
      %dma_start3A_245 = tpu.memref_slice %arg15[%dma_start3A_243, %dma_start3A_244] : memref<10240x64xf32, #tpu.memory_space<vmem_shared>> -> memref<10240x64xf32, #tpu.memory_space<vmem_shared>>
      tpu.enqueue_indirect_dma source(%arg13 : memref<128x64xf32, #tpu.memory_space<vmem>>) target(%dma_start3A_245 : memref<10240x64xf32, #tpu.memory_space<vmem_shared>>) offsets(%dma_start3A_242 : memref<128xi32, #tpu.memory_space<vmem>>) semaphore(%arg24 : memref<!tpu.dma_semaphore, #tpu.memory_space<semaphore_mem>>) {add = true}
      %jit3A_246 = arith.constant 2 : i32
      %eq3A_247 = arith.constant 0 : i32
      %eq3A_248 = arith.cmpi eq, %jit3A_246, %eq3A_247 : i32
      %jit3A_249 = arith.constant 1 : i32
      %select_n3A_250 = arith.select %eq3A_248, %jit3A_249, %jit3A_246 : i32
      %rem3A_251 = arith.remsi %add3A_233, %select_n3A_250 : i32
      %ne3A_252 = arith.constant 0 : i32
      %ne3A_253 = arith.cmpi ne, %rem3A_251, %ne3A_252 : i32
      %lt3A_254 = arith.constant 0 : i32
      %lt3A_255 = arith.cmpi slt, %rem3A_251, %lt3A_254 : i32
      %lt3A_256 = arith.constant 0 : i32
      %lt3A_257 = arith.cmpi slt, %select_n3A_250, %lt3A_256 : i32
      %ne3A_258 = arith.xori %lt3A_255, %lt3A_257 : i1
      %and3A_259 = arith.andi %ne3A_258, %ne3A_253 : i1
      %add3A_260 = arith.addi %rem3A_251, %select_n3A_250 : i32
      %select_n3A_261 = arith.select %and3A_259, %add3A_260, %rem3A_251 : i32
      %eq3A_262 = arith.cmpi eq, %arg0, %select_n3A_261 : i32
      %convert_element_type3A_263 = arith.extui %eq3A_262 : i1 to i32
      %cond3A_264 = arith.constant 0 : i32
      %cond3A_265 = arith.cmpi ne, %convert_element_type3A_263, %cond3A_264 : i32
      scf.if %cond3A_265 {
        "tpu.region"() ({
          %run_scoped3A = tpu.sem_alloc : memref<!tpu.dma_semaphore, #tpu.memory_space<semaphore_mem>>
          %dma_start3A_272 = arith.constant 0 : i32
          %dma_start3A_273 = tpu.memref_slice %arg9[%add3A_233, %dma_start3A_272] : memref<160x128xi32, #tpu.memory_space<vmem>> -> memref<1x128xi32, #tpu.memory_space<vmem>>
          %dma_start3A_274 = tpu.memref_squeeze %dma_start3A_273 : memref<1x128xi32, #tpu.memory_space<vmem>> -> memref<128xi32, #tpu.memory_space<vmem>>
          %dma_start3A_275 = arith.constant 0 : i32
          %dma_start3A_276 = arith.constant 0 : i32
          %dma_start3A_277 = tpu.memref_slice %arg16[%dma_start3A_275, %dma_start3A_276] : memref<10240x16xf32, #tpu.memory_space<vmem_shared>> -> memref<10240x16xf32, #tpu.memory_space<vmem_shared>>
          tpu.enqueue_indirect_dma source(%arg14 : memref<128x16xf32, #tpu.memory_space<vmem>>) target(%dma_start3A_277 : memref<10240x16xf32, #tpu.memory_space<vmem_shared>>) offsets(%dma_start3A_274 : memref<128xi32, #tpu.memory_space<vmem>>) semaphore(%run_scoped3A : memref<!tpu.dma_semaphore, #tpu.memory_space<semaphore_mem>>) {add = true}
          %dma_wait3A_278 = arith.constant 0 : i32
          %dma_wait3A_279 = tpu.memref_slice %arg9[%add3A_233, %dma_wait3A_278] : memref<160x128xi32, #tpu.memory_space<vmem>> -> memref<1x128xi32, #tpu.memory_space<vmem>>
          %dma_wait3A_280 = tpu.memref_squeeze %dma_wait3A_279 : memref<1x128xi32, #tpu.memory_space<vmem>> -> memref<128xi32, #tpu.memory_space<vmem>>
          %dma_wait3A_281 = arith.constant 0 : i32
          %dma_wait3A_282 = arith.constant 0 : i32
          %dma_wait3A_283 = tpu.memref_slice %arg16[%dma_wait3A_281, %dma_wait3A_282] : memref<10240x16xf32, #tpu.memory_space<vmem_shared>> -> memref<10240x16xf32, #tpu.memory_space<vmem_shared>>
          tpu.wait_indirect_dma semaphore(%run_scoped3A : memref<!tpu.dma_semaphore, #tpu.memory_space<semaphore_mem>>) src(%arg14 : memref<128x16xf32, #tpu.memory_space<vmem>>) dst(%dma_wait3A_283 : memref<10240x16xf32, #tpu.memory_space<vmem_shared>>)
          tpu.yield
        }) : () -> ()
      } else {
      }
      %lt3A_266 = arith.constant 39 : i32
      %lt3A_267 = arith.cmpi slt, %scan3A_103, %lt3A_266 : i32
      %convert_element_type3A_268 = arith.extui %lt3A_267 : i1 to i32
      %cond3A_269 = arith.constant 0 : i32
      %cond3A_270 = arith.cmpi ne, %convert_element_type3A_268, %cond3A_269 : i32
      scf.if %cond3A_270 {
        %sub3A = arith.constant 1 : i32
        %sub3A_272 = arith.subi %add3A_233, %sub3A : i32
        %dma_wait3A_273 = arith.constant 0 : i32
        %dma_wait3A_274 = tpu.memref_slice %arg9[%sub3A_272, %dma_wait3A_273] : memref<160x128xi32, #tpu.memory_space<vmem>> -> memref<1x128xi32, #tpu.memory_space<vmem>>
        %dma_wait3A_275 = tpu.memref_squeeze %dma_wait3A_274 : memref<1x128xi32, #tpu.memory_space<vmem>> -> memref<128xi32, #tpu.memory_space<vmem>>
        %dma_wait3A_276 = arith.constant 0 : i32
        %dma_wait3A_277 = arith.constant 0 : i32
        %dma_wait3A_278 = tpu.memref_slice %arg15[%dma_wait3A_276, %dma_wait3A_277] : memref<10240x64xf32, #tpu.memory_space<vmem_shared>> -> memref<10240x64xf32, #tpu.memory_space<vmem_shared>>
        tpu.wait_indirect_dma semaphore(%arg23 : memref<!tpu.dma_semaphore, #tpu.memory_space<semaphore_mem>>) src(%arg12 : memref<128x64xf32, #tpu.memory_space<vmem>>) dst(%dma_wait3A_278 : memref<10240x64xf32, #tpu.memory_space<vmem_shared>>)
        %add3A_279 = arith.constant 3 : i32
        %add3A_280 = arith.addi %add3A_233, %add3A_279 : i32
        %dma_start3A_281 = arith.constant 0 : i32
        %dma_start3A_282 = tpu.memref_slice %arg8[%add3A_280, %dma_start3A_281] : memref<160x128xi32, #tpu.memory_space<vmem>> -> memref<1x128xi32, #tpu.memory_space<vmem>>
        %dma_start3A_283 = tpu.memref_squeeze %dma_start3A_282 : memref<1x128xi32, #tpu.memory_space<vmem>> -> memref<128xi32, #tpu.memory_space<vmem>>
        %dma_start3A_284 = arith.constant 0 : i32
        %dma_start3A_285 = arith.constant 0 : i32
        %dma_start3A_286 = tpu.memref_slice %arg2[%dma_start3A_284, %dma_start3A_285] : memref<20000x64xf32, #tpu.memory_space<hbm>> -> memref<20000x64xf32, #tpu.memory_space<hbm>>
        tpu.enqueue_indirect_dma source(%dma_start3A_286 : memref<20000x64xf32, #tpu.memory_space<hbm>>) target(%arg12 : memref<128x64xf32, #tpu.memory_space<vmem>>) offsets(%dma_start3A_283 : memref<128xi32, #tpu.memory_space<vmem>>) semaphore(%arg19 : memref<!tpu.dma_semaphore, #tpu.memory_space<semaphore_mem>>)
      } else {
      }
      %scan3A_271 = arith.constant 0 : i32
      scf.yield %scan3A_271 : i32
    }
    %scan3A_64 = arith.constant 40 : i32
    %dma_wait3A = arith.constant 156 : i32
    %dma_wait3A_65 = arith.constant 0 : i32
    %dma_wait3A_66 = tpu.memref_slice %arg9[%dma_wait3A, %dma_wait3A_65] : memref<160x128xi32, #tpu.memory_space<vmem>> -> memref<1x128xi32, #tpu.memory_space<vmem>>
    %dma_wait3A_67 = tpu.memref_squeeze %dma_wait3A_66 : memref<1x128xi32, #tpu.memory_space<vmem>> -> memref<128xi32, #tpu.memory_space<vmem>>
    %dma_wait3A_68 = arith.constant 0 : i32
    %dma_wait3A_69 = arith.constant 0 : i32
    %dma_wait3A_70 = tpu.memref_slice %arg15[%dma_wait3A_68, %dma_wait3A_69] : memref<10240x64xf32, #tpu.memory_space<vmem_shared>> -> memref<10240x64xf32, #tpu.memory_space<vmem_shared>>
    tpu.wait_indirect_dma semaphore(%arg21 : memref<!tpu.dma_semaphore, #tpu.memory_space<semaphore_mem>>) src(%arg10 : memref<128x64xf32, #tpu.memory_space<vmem>>) dst(%dma_wait3A_70 : memref<10240x64xf32, #tpu.memory_space<vmem_shared>>)
    %dma_wait3A_71 = arith.constant 157 : i32
    %dma_wait3A_72 = arith.constant 0 : i32
    %dma_wait3A_73 = tpu.memref_slice %arg9[%dma_wait3A_71, %dma_wait3A_72] : memref<160x128xi32, #tpu.memory_space<vmem>> -> memref<1x128xi32, #tpu.memory_space<vmem>>
    %dma_wait3A_74 = tpu.memref_squeeze %dma_wait3A_73 : memref<1x128xi32, #tpu.memory_space<vmem>> -> memref<128xi32, #tpu.memory_space<vmem>>
    %dma_wait3A_75 = arith.constant 0 : i32
    %dma_wait3A_76 = arith.constant 0 : i32
    %dma_wait3A_77 = tpu.memref_slice %arg15[%dma_wait3A_75, %dma_wait3A_76] : memref<10240x64xf32, #tpu.memory_space<vmem_shared>> -> memref<10240x64xf32, #tpu.memory_space<vmem_shared>>
    tpu.wait_indirect_dma semaphore(%arg22 : memref<!tpu.dma_semaphore, #tpu.memory_space<semaphore_mem>>) src(%arg11 : memref<128x64xf32, #tpu.memory_space<vmem>>) dst(%dma_wait3A_77 : memref<10240x64xf32, #tpu.memory_space<vmem_shared>>)
    %dma_wait3A_78 = arith.constant 158 : i32
    %dma_wait3A_79 = arith.constant 0 : i32
    %dma_wait3A_80 = tpu.memref_slice %arg9[%dma_wait3A_78, %dma_wait3A_79] : memref<160x128xi32, #tpu.memory_space<vmem>> -> memref<1x128xi32, #tpu.memory_space<vmem>>
    %dma_wait3A_81 = tpu.memref_squeeze %dma_wait3A_80 : memref<1x128xi32, #tpu.memory_space<vmem>> -> memref<128xi32, #tpu.memory_space<vmem>>
    %dma_wait3A_82 = arith.constant 0 : i32
    %dma_wait3A_83 = arith.constant 0 : i32
    %dma_wait3A_84 = tpu.memref_slice %arg15[%dma_wait3A_82, %dma_wait3A_83] : memref<10240x64xf32, #tpu.memory_space<vmem_shared>> -> memref<10240x64xf32, #tpu.memory_space<vmem_shared>>
    tpu.wait_indirect_dma semaphore(%arg23 : memref<!tpu.dma_semaphore, #tpu.memory_space<semaphore_mem>>) src(%arg12 : memref<128x64xf32, #tpu.memory_space<vmem>>) dst(%dma_wait3A_84 : memref<10240x64xf32, #tpu.memory_space<vmem_shared>>)
    %dma_wait3A_85 = arith.constant 159 : i32
    %dma_wait3A_86 = arith.constant 0 : i32
    %dma_wait3A_87 = tpu.memref_slice %arg9[%dma_wait3A_85, %dma_wait3A_86] : memref<160x128xi32, #tpu.memory_space<vmem>> -> memref<1x128xi32, #tpu.memory_space<vmem>>
    %dma_wait3A_88 = tpu.memref_squeeze %dma_wait3A_87 : memref<1x128xi32, #tpu.memory_space<vmem>> -> memref<128xi32, #tpu.memory_space<vmem>>
    %dma_wait3A_89 = arith.constant 0 : i32
    %dma_wait3A_90 = arith.constant 0 : i32
    %dma_wait3A_91 = tpu.memref_slice %arg15[%dma_wait3A_89, %dma_wait3A_90] : memref<10240x64xf32, #tpu.memory_space<vmem_shared>> -> memref<10240x64xf32, #tpu.memory_space<vmem_shared>>
    tpu.wait_indirect_dma semaphore(%arg24 : memref<!tpu.dma_semaphore, #tpu.memory_space<semaphore_mem>>) src(%arg13 : memref<128x64xf32, #tpu.memory_space<vmem>>) dst(%dma_wait3A_91 : memref<10240x64xf32, #tpu.memory_space<vmem_shared>>)
    %barrier3A_92 = arith.constant 0 : index
    tpu.barrier barrier_id(%barrier3A_92)
    %add3A_93 = arith.constant 0 : i32
    %add3A_94 = arith.addi %mul3A_0, %add3A_93 : i32
    "tpu.region"() ({
      %run_scoped3A = tpu.sem_alloc : memref<!tpu.dma_semaphore, #tpu.memory_space<semaphore_mem>>
      %dma_start3A_103 = tpu.memref_slice %arg6[%add3A_94, %mul3A_2] : memref<10240x128xf32, #tpu.memory_space<hbm>> -> memref<128x64xf32, #tpu.memory_space<hbm>>
      %dma_start3A_104 = arith.constant 0 : i32
      %dma_start3A_105 = tpu.memref_slice %arg15[%add3A_94, %dma_start3A_104] : memref<10240x64xf32, #tpu.memory_space<vmem_shared>> -> memref<128x64xf32, #tpu.memory_space<vmem_shared>>
      tpu.enqueue_dma source(%dma_start3A_105 : memref<128x64xf32, #tpu.memory_space<vmem_shared>>) target(%dma_start3A_103 : memref<128x64xf32, #tpu.memory_space<hbm>>) target_semaphore(%run_scoped3A : memref<!tpu.dma_semaphore, #tpu.memory_space<semaphore_mem>>)
      %dma_wait3A_106 = tpu.memref_slice %arg6[%add3A_94, %mul3A_2] : memref<10240x128xf32, #tpu.memory_space<hbm>> -> memref<128x64xf32, #tpu.memory_space<hbm>>
      %dma_wait3A_107 = arith.constant 0 : i32
      %dma_wait3A_108 = tpu.memref_slice %arg15[%add3A_94, %dma_wait3A_107] : memref<10240x64xf32, #tpu.memory_space<vmem_shared>> -> memref<128x64xf32, #tpu.memory_space<vmem_shared>>
      tpu.wait_dma2 semaphore(%run_scoped3A : memref<!tpu.dma_semaphore, #tpu.memory_space<semaphore_mem>>) src(%dma_wait3A_108 : memref<128x64xf32, #tpu.memory_space<vmem_shared>>) dst(%dma_wait3A_106 : memref<128x64xf32, #tpu.memory_space<hbm>>)
      tpu.yield
    }) : () -> ()
    "tpu.region"() ({
      %run_scoped3A = tpu.sem_alloc : memref<!tpu.dma_semaphore, #tpu.memory_space<semaphore_mem>>
      %dma_start3A_103 = arith.constant 0 : i32
      %dma_start3A_104 = arith.constant 0 : i32
      %dma_start3A_105 = tpu.memref_slice %arg7[%arg0, %dma_start3A_103, %dma_start3A_104] : memref<2x10240x16xf32, #tpu.memory_space<hbm>> -> memref<1x10240x16xf32, #tpu.memory_space<hbm>>
      %dma_start3A_106 = tpu.memref_squeeze %dma_start3A_105 : memref<1x10240x16xf32, #tpu.memory_space<hbm>> -> memref<10240x16xf32, #tpu.memory_space<hbm>>
      %dma_start3A_107 = arith.constant 0 : i32
      %dma_start3A_108 = tpu.memref_slice %dma_start3A_106[%add3A_94, %dma_start3A_107] : memref<10240x16xf32, #tpu.memory_space<hbm>> -> memref<128x16xf32, #tpu.memory_space<hbm>>
      %dma_start3A_109 = arith.constant 0 : i32
      %dma_start3A_110 = tpu.memref_slice %arg16[%add3A_94, %dma_start3A_109] : memref<10240x16xf32, #tpu.memory_space<vmem_shared>> -> memref<128x16xf32, #tpu.memory_space<vmem_shared>>
      tpu.enqueue_dma source(%dma_start3A_110 : memref<128x16xf32, #tpu.memory_space<vmem_shared>>) target(%dma_start3A_108 : memref<128x16xf32, #tpu.memory_space<hbm>>) target_semaphore(%run_scoped3A : memref<!tpu.dma_semaphore, #tpu.memory_space<semaphore_mem>>)
      %dma_wait3A_111 = arith.constant 0 : i32
      %dma_wait3A_112 = arith.constant 0 : i32
      %dma_wait3A_113 = tpu.memref_slice %arg7[%arg0, %dma_wait3A_111, %dma_wait3A_112] : memref<2x10240x16xf32, #tpu.memory_space<hbm>> -> memref<1x10240x16xf32, #tpu.memory_space<hbm>>
      %dma_wait3A_114 = tpu.memref_squeeze %dma_wait3A_113 : memref<1x10240x16xf32, #tpu.memory_space<hbm>> -> memref<10240x16xf32, #tpu.memory_space<hbm>>
      %dma_wait3A_115 = arith.constant 0 : i32
      %dma_wait3A_116 = tpu.memref_slice %dma_wait3A_114[%add3A_94, %dma_wait3A_115] : memref<10240x16xf32, #tpu.memory_space<hbm>> -> memref<128x16xf32, #tpu.memory_space<hbm>>
      %dma_wait3A_117 = arith.constant 0 : i32
      %dma_wait3A_118 = tpu.memref_slice %arg16[%add3A_94, %dma_wait3A_117] : memref<10240x16xf32, #tpu.memory_space<vmem_shared>> -> memref<128x16xf32, #tpu.memory_space<vmem_shared>>
      tpu.wait_dma2 semaphore(%run_scoped3A : memref<!tpu.dma_semaphore, #tpu.memory_space<semaphore_mem>>) src(%dma_wait3A_118 : memref<128x16xf32, #tpu.memory_space<vmem_shared>>) dst(%dma_wait3A_116 : memref<128x16xf32, #tpu.memory_space<hbm>>)
      tpu.yield
    }) : () -> ()
    %add3A_95 = arith.constant 128 : i32
    %add3A_96 = arith.addi %mul3A_0, %add3A_95 : i32
    "tpu.region"() ({
      %run_scoped3A = tpu.sem_alloc : memref<!tpu.dma_semaphore, #tpu.memory_space<semaphore_mem>>
      %dma_start3A_103 = tpu.memref_slice %arg6[%add3A_96, %mul3A_2] : memref<10240x128xf32, #tpu.memory_space<hbm>> -> memref<128x64xf32, #tpu.memory_space<hbm>>
      %dma_start3A_104 = arith.constant 0 : i32
      %dma_start3A_105 = tpu.memref_slice %arg15[%add3A_96, %dma_start3A_104] : memref<10240x64xf32, #tpu.memory_space<vmem_shared>> -> memref<128x64xf32, #tpu.memory_space<vmem_shared>>
      tpu.enqueue_dma source(%dma_start3A_105 : memref<128x64xf32, #tpu.memory_space<vmem_shared>>) target(%dma_start3A_103 : memref<128x64xf32, #tpu.memory_space<hbm>>) target_semaphore(%run_scoped3A : memref<!tpu.dma_semaphore, #tpu.memory_space<semaphore_mem>>)
      %dma_wait3A_106 = tpu.memref_slice %arg6[%add3A_96, %mul3A_2] : memref<10240x128xf32, #tpu.memory_space<hbm>> -> memref<128x64xf32, #tpu.memory_space<hbm>>
      %dma_wait3A_107 = arith.constant 0 : i32
      %dma_wait3A_108 = tpu.memref_slice %arg15[%add3A_96, %dma_wait3A_107] : memref<10240x64xf32, #tpu.memory_space<vmem_shared>> -> memref<128x64xf32, #tpu.memory_space<vmem_shared>>
      tpu.wait_dma2 semaphore(%run_scoped3A : memref<!tpu.dma_semaphore, #tpu.memory_space<semaphore_mem>>) src(%dma_wait3A_108 : memref<128x64xf32, #tpu.memory_space<vmem_shared>>) dst(%dma_wait3A_106 : memref<128x64xf32, #tpu.memory_space<hbm>>)
      tpu.yield
    }) : () -> ()
    "tpu.region"() ({
      %run_scoped3A = tpu.sem_alloc : memref<!tpu.dma_semaphore, #tpu.memory_space<semaphore_mem>>
      %dma_start3A_103 = arith.constant 0 : i32
      %dma_start3A_104 = arith.constant 0 : i32
      %dma_start3A_105 = tpu.memref_slice %arg7[%arg0, %dma_start3A_103, %dma_start3A_104] : memref<2x10240x16xf32, #tpu.memory_space<hbm>> -> memref<1x10240x16xf32, #tpu.memory_space<hbm>>
      %dma_start3A_106 = tpu.memref_squeeze %dma_start3A_105 : memref<1x10240x16xf32, #tpu.memory_space<hbm>> -> memref<10240x16xf32, #tpu.memory_space<hbm>>
      %dma_start3A_107 = arith.constant 0 : i32
      %dma_start3A_108 = tpu.memref_slice %dma_start3A_106[%add3A_96, %dma_start3A_107] : memref<10240x16xf32, #tpu.memory_space<hbm>> -> memref<128x16xf32, #tpu.memory_space<hbm>>
      %dma_start3A_109 = arith.constant 0 : i32
      %dma_start3A_110 = tpu.memref_slice %arg16[%add3A_96, %dma_start3A_109] : memref<10240x16xf32, #tpu.memory_space<vmem_shared>> -> memref<128x16xf32, #tpu.memory_space<vmem_shared>>
      tpu.enqueue_dma source(%dma_start3A_110 : memref<128x16xf32, #tpu.memory_space<vmem_shared>>) target(%dma_start3A_108 : memref<128x16xf32, #tpu.memory_space<hbm>>) target_semaphore(%run_scoped3A : memref<!tpu.dma_semaphore, #tpu.memory_space<semaphore_mem>>)
      %dma_wait3A_111 = arith.constant 0 : i32
      %dma_wait3A_112 = arith.constant 0 : i32
      %dma_wait3A_113 = tpu.memref_slice %arg7[%arg0, %dma_wait3A_111, %dma_wait3A_112] : memref<2x10240x16xf32, #tpu.memory_space<hbm>> -> memref<1x10240x16xf32, #tpu.memory_space<hbm>>
      %dma_wait3A_114 = tpu.memref_squeeze %dma_wait3A_113 : memref<1x10240x16xf32, #tpu.memory_space<hbm>> -> memref<10240x16xf32, #tpu.memory_space<hbm>>
      %dma_wait3A_115 = arith.constant 0 : i32
      %dma_wait3A_116 = tpu.memref_slice %dma_wait3A_114[%add3A_96, %dma_wait3A_115] : memref<10240x16xf32, #tpu.memory_space<hbm>> -> memref<128x16xf32, #tpu.memory_space<hbm>>
      %dma_wait3A_117 = arith.constant 0 : i32
      %dma_wait3A_118 = tpu.memref_slice %arg16[%add3A_96, %dma_wait3A_117] : memref<10240x16xf32, #tpu.memory_space<vmem_shared>> -> memref<128x16xf32, #tpu.memory_space<vmem_shared>>
      tpu.wait_dma2 semaphore(%run_scoped3A : memref<!tpu.dma_semaphore, #tpu.memory_space<semaphore_mem>>) src(%dma_wait3A_118 : memref<128x16xf32, #tpu.memory_space<vmem_shared>>) dst(%dma_wait3A_116 : memref<128x16xf32, #tpu.memory_space<hbm>>)
      tpu.yield
    }) : () -> ()
    %add3A_97 = arith.constant 256 : i32
    %add3A_98 = arith.addi %mul3A_0, %add3A_97 : i32
    "tpu.region"() ({
      %run_scoped3A = tpu.sem_alloc : memref<!tpu.dma_semaphore, #tpu.memory_space<semaphore_mem>>
      %dma_start3A_103 = tpu.memref_slice %arg6[%add3A_98, %mul3A_2] : memref<10240x128xf32, #tpu.memory_space<hbm>> -> memref<128x64xf32, #tpu.memory_space<hbm>>
      %dma_start3A_104 = arith.constant 0 : i32
      %dma_start3A_105 = tpu.memref_slice %arg15[%add3A_98, %dma_start3A_104] : memref<10240x64xf32, #tpu.memory_space<vmem_shared>> -> memref<128x64xf32, #tpu.memory_space<vmem_shared>>
      tpu.enqueue_dma source(%dma_start3A_105 : memref<128x64xf32, #tpu.memory_space<vmem_shared>>) target(%dma_start3A_103 : memref<128x64xf32, #tpu.memory_space<hbm>>) target_semaphore(%run_scoped3A : memref<!tpu.dma_semaphore, #tpu.memory_space<semaphore_mem>>)
      %dma_wait3A_106 = tpu.memref_slice %arg6[%add3A_98, %mul3A_2] : memref<10240x128xf32, #tpu.memory_space<hbm>> -> memref<128x64xf32, #tpu.memory_space<hbm>>
      %dma_wait3A_107 = arith.constant 0 : i32
      %dma_wait3A_108 = tpu.memref_slice %arg15[%add3A_98, %dma_wait3A_107] : memref<10240x64xf32, #tpu.memory_space<vmem_shared>> -> memref<128x64xf32, #tpu.memory_space<vmem_shared>>
      tpu.wait_dma2 semaphore(%run_scoped3A : memref<!tpu.dma_semaphore, #tpu.memory_space<semaphore_mem>>) src(%dma_wait3A_108 : memref<128x64xf32, #tpu.memory_space<vmem_shared>>) dst(%dma_wait3A_106 : memref<128x64xf32, #tpu.memory_space<hbm>>)
      tpu.yield
    }) : () -> ()
    "tpu.region"() ({
      %run_scoped3A = tpu.sem_alloc : memref<!tpu.dma_semaphore, #tpu.memory_space<semaphore_mem>>
      %dma_start3A_103 = arith.constant 0 : i32
      %dma_start3A_104 = arith.constant 0 : i32
      %dma_start3A_105 = tpu.memref_slice %arg7[%arg0, %dma_start3A_103, %dma_start3A_104] : memref<2x10240x16xf32, #tpu.memory_space<hbm>> -> memref<1x10240x16xf32, #tpu.memory_space<hbm>>
      %dma_start3A_106 = tpu.memref_squeeze %dma_start3A_105 : memref<1x10240x16xf32, #tpu.memory_space<hbm>> -> memref<10240x16xf32, #tpu.memory_space<hbm>>
      %dma_start3A_107 = arith.constant 0 : i32
      %dma_start3A_108 = tpu.memref_slice %dma_start3A_106[%add3A_98, %dma_start3A_107] : memref<10240x16xf32, #tpu.memory_space<hbm>> -> memref<128x16xf32, #tpu.memory_space<hbm>>
      %dma_start3A_109 = arith.constant 0 : i32
      %dma_start3A_110 = tpu.memref_slice %arg16[%add3A_98, %dma_start3A_109] : memref<10240x16xf32, #tpu.memory_space<vmem_shared>> -> memref<128x16xf32, #tpu.memory_space<vmem_shared>>
      tpu.enqueue_dma source(%dma_start3A_110 : memref<128x16xf32, #tpu.memory_space<vmem_shared>>) target(%dma_start3A_108 : memref<128x16xf32, #tpu.memory_space<hbm>>) target_semaphore(%run_scoped3A : memref<!tpu.dma_semaphore, #tpu.memory_space<semaphore_mem>>)
      %dma_wait3A_111 = arith.constant 0 : i32
      %dma_wait3A_112 = arith.constant 0 : i32
      %dma_wait3A_113 = tpu.memref_slice %arg7[%arg0, %dma_wait3A_111, %dma_wait3A_112] : memref<2x10240x16xf32, #tpu.memory_space<hbm>> -> memref<1x10240x16xf32, #tpu.memory_space<hbm>>
      %dma_wait3A_114 = tpu.memref_squeeze %dma_wait3A_113 : memref<1x10240x16xf32, #tpu.memory_space<hbm>> -> memref<10240x16xf32, #tpu.memory_space<hbm>>
      %dma_wait3A_115 = arith.constant 0 : i32
      %dma_wait3A_116 = tpu.memref_slice %dma_wait3A_114[%add3A_98, %dma_wait3A_115] : memref<10240x16xf32, #tpu.memory_space<hbm>> -> memref<128x16xf32, #tpu.memory_space<hbm>>
      %dma_wait3A_117 = arith.constant 0 : i32
      %dma_wait3A_118 = tpu.memref_slice %arg16[%add3A_98, %dma_wait3A_117] : memref<10240x16xf32, #tpu.memory_space<vmem_shared>> -> memref<128x16xf32, #tpu.memory_space<vmem_shared>>
      tpu.wait_dma2 semaphore(%run_scoped3A : memref<!tpu.dma_semaphore, #tpu.memory_space<semaphore_mem>>) src(%dma_wait3A_118 : memref<128x16xf32, #tpu.memory_space<vmem_shared>>) dst(%dma_wait3A_116 : memref<128x16xf32, #tpu.memory_space<hbm>>)
      tpu.yield
    }) : () -> ()
    %add3A_99 = arith.constant 384 : i32
    %add3A_100 = arith.addi %mul3A_0, %add3A_99 : i32
    "tpu.region"() ({
      %run_scoped3A = tpu.sem_alloc : memref<!tpu.dma_semaphore, #tpu.memory_space<semaphore_mem>>
      %dma_start3A_103 = tpu.memref_slice %arg6[%add3A_100, %mul3A_2] : memref<10240x128xf32, #tpu.memory_space<hbm>> -> memref<128x64xf32, #tpu.memory_space<hbm>>
      %dma_start3A_104 = arith.constant 0 : i32
      %dma_start3A_105 = tpu.memref_slice %arg15[%add3A_100, %dma_start3A_104] : memref<10240x64xf32, #tpu.memory_space<vmem_shared>> -> memref<128x64xf32, #tpu.memory_space<vmem_shared>>
      tpu.enqueue_dma source(%dma_start3A_105 : memref<128x64xf32, #tpu.memory_space<vmem_shared>>) target(%dma_start3A_103 : memref<128x64xf32, #tpu.memory_space<hbm>>) target_semaphore(%run_scoped3A : memref<!tpu.dma_semaphore, #tpu.memory_space<semaphore_mem>>)
      %dma_wait3A_106 = tpu.memref_slice %arg6[%add3A_100, %mul3A_2] : memref<10240x128xf32, #tpu.memory_space<hbm>> -> memref<128x64xf32, #tpu.memory_space<hbm>>
      %dma_wait3A_107 = arith.constant 0 : i32
      %dma_wait3A_108 = tpu.memref_slice %arg15[%add3A_100, %dma_wait3A_107] : memref<10240x64xf32, #tpu.memory_space<vmem_shared>> -> memref<128x64xf32, #tpu.memory_space<vmem_shared>>
      tpu.wait_dma2 semaphore(%run_scoped3A : memref<!tpu.dma_semaphore, #tpu.memory_space<semaphore_mem>>) src(%dma_wait3A_108 : memref<128x64xf32, #tpu.memory_space<vmem_shared>>) dst(%dma_wait3A_106 : memref<128x64xf32, #tpu.memory_space<hbm>>)
      tpu.yield
    }) : () -> ()
    "tpu.region"() ({
      %run_scoped3A = tpu.sem_alloc : memref<!tpu.dma_semaphore, #tpu.memory_space<semaphore_mem>>
      %dma_start3A_103 = arith.constant 0 : i32
      %dma_start3A_104 = arith.constant 0 : i32
      %dma_start3A_105 = tpu.memref_slice %arg7[%arg0, %dma_start3A_103, %dma_start3A_104] : memref<2x10240x16xf32, #tpu.memory_space<hbm>> -> memref<1x10240x16xf32, #tpu.memory_space<hbm>>
      %dma_start3A_106 = tpu.memref_squeeze %dma_start3A_105 : memref<1x10240x16xf32, #tpu.memory_space<hbm>> -> memref<10240x16xf32, #tpu.memory_space<hbm>>
      %dma_start3A_107 = arith.constant 0 : i32
      %dma_start3A_108 = tpu.memref_slice %dma_start3A_106[%add3A_100, %dma_start3A_107] : memref<10240x16xf32, #tpu.memory_space<hbm>> -> memref<128x16xf32, #tpu.memory_space<hbm>>
      %dma_start3A_109 = arith.constant 0 : i32
      %dma_start3A_110 = tpu.memref_slice %arg16[%add3A_100, %dma_start3A_109] : memref<10240x16xf32, #tpu.memory_space<vmem_shared>> -> memref<128x16xf32, #tpu.memory_space<vmem_shared>>
      tpu.enqueue_dma source(%dma_start3A_110 : memref<128x16xf32, #tpu.memory_space<vmem_shared>>) target(%dma_start3A_108 : memref<128x16xf32, #tpu.memory_space<hbm>>) target_semaphore(%run_scoped3A : memref<!tpu.dma_semaphore, #tpu.memory_space<semaphore_mem>>)
      %dma_wait3A_111 = arith.constant 0 : i32
      %dma_wait3A_112 = arith.constant 0 : i32
      %dma_wait3A_113 = tpu.memref_slice %arg7[%arg0, %dma_wait3A_111, %dma_wait3A_112] : memref<2x10240x16xf32, #tpu.memory_space<hbm>> -> memref<1x10240x16xf32, #tpu.memory_space<hbm>>
      %dma_wait3A_114 = tpu.memref_squeeze %dma_wait3A_113 : memref<1x10240x16xf32, #tpu.memory_space<hbm>> -> memref<10240x16xf32, #tpu.memory_space<hbm>>
      %dma_wait3A_115 = arith.constant 0 : i32
      %dma_wait3A_116 = tpu.memref_slice %dma_wait3A_114[%add3A_100, %dma_wait3A_115] : memref<10240x16xf32, #tpu.memory_space<hbm>> -> memref<128x16xf32, #tpu.memory_space<hbm>>
      %dma_wait3A_117 = arith.constant 0 : i32
      %dma_wait3A_118 = tpu.memref_slice %arg16[%add3A_100, %dma_wait3A_117] : memref<10240x16xf32, #tpu.memory_space<vmem_shared>> -> memref<128x16xf32, #tpu.memory_space<vmem_shared>>
      tpu.wait_dma2 semaphore(%run_scoped3A : memref<!tpu.dma_semaphore, #tpu.memory_space<semaphore_mem>>) src(%dma_wait3A_118 : memref<128x16xf32, #tpu.memory_space<vmem_shared>>) dst(%dma_wait3A_116 : memref<128x16xf32, #tpu.memory_space<hbm>>)
      tpu.yield
    }) : () -> ()
    %add3A_101 = arith.constant 512 : i32
    %add3A_102 = arith.addi %mul3A_0, %add3A_101 : i32
    "tpu.region"() ({
      %run_scoped3A = tpu.sem_alloc : memref<!tpu.dma_semaphore, #tpu.memory_space<semaphore_mem>>
      %dma_start3A_103 = tpu.memref_slice %arg6[%add3A_102, %mul3A_2] : memref<10240x128xf32, #tpu.memory_space<hbm>> -> memref<128x64xf32, #tpu.memory_space<hbm>>
      %dma_start3A_104 = arith.constant 0 : i32
      %dma_start3A_105 = tpu.memref_slice %arg15[%add3A_102, %dma_start3A_104] : memref<10240x64xf32, #tpu.memory_space<vmem_shared>> -> memref<128x64xf32, #tpu.memory_space<vmem_shared>>
      tpu.enqueue_dma source(%dma_start3A_105 : memref<128x64xf32, #tpu.memory_space<vmem_shared>>) target(%dma_start3A_103 : memref<128x64xf32, #tpu.memory_space<hbm>>) target_semaphore(%run_scoped3A : memref<!tpu.dma_semaphore, #tpu.memory_space<semaphore_mem>>)
      %dma_wait3A_106 = tpu.memref_slice %arg6[%add3A_102, %mul3A_2] : memref<10240x128xf32, #tpu.memory_space<hbm>> -> memref<128x64xf32, #tpu.memory_space<hbm>>
      %dma_wait3A_107 = arith.constant 0 : i32
      %dma_wait3A_108 = tpu.memref_slice %arg15[%add3A_102, %dma_wait3A_107] : memref<10240x64xf32, #tpu.memory_space<vmem_shared>> -> memref<128x64xf32, #tpu.memory_space<vmem_shared>>
      tpu.wait_dma2 semaphore(%run_scoped3A : memref<!tpu.dma_semaphore, #tpu.memory_space<semaphore_mem>>) src(%dma_wait3A_108 : memref<128x64xf32, #tpu.memory_space<vmem_shared>>) dst(%dma_wait3A_106 : memref<128x64xf32, #tpu.memory_space<hbm>>)
      tpu.yield
    }) : () -> ()
    "tpu.region"() ({
      %run_scoped3A = tpu.sem_alloc : memref<!tpu.dma_semaphore, #tpu.memory_space<semaphore_mem>>
      %dma_start3A_103 = arith.constant 0 : i32
      %dma_start3A_104 = arith.constant 0 : i32
      %dma_start3A_105 = tpu.memref_slice %arg7[%arg0, %dma_start3A_103, %dma_start3A_104] : memref<2x10240x16xf32, #tpu.memory_space<hbm>> -> memref<1x10240x16xf32, #tpu.memory_space<hbm>>
      %dma_start3A_106 = tpu.memref_squeeze %dma_start3A_105 : memref<1x10240x16xf32, #tpu.memory_space<hbm>> -> memref<10240x16xf32, #tpu.memory_space<hbm>>
      %dma_start3A_107 = arith.constant 0 : i32
      %dma_start3A_108 = tpu.memref_slice %dma_start3A_106[%add3A_102, %dma_start3A_107] : memref<10240x16xf32, #tpu.memory_space<hbm>> -> memref<128x16xf32, #tpu.memory_space<hbm>>
      %dma_start3A_109 = arith.constant 0 : i32
      %dma_start3A_110 = tpu.memref_slice %arg16[%add3A_102, %dma_start3A_109] : memref<10240x16xf32, #tpu.memory_space<vmem_shared>> -> memref<128x16xf32, #tpu.memory_space<vmem_shared>>
      tpu.enqueue_dma source(%dma_start3A_110 : memref<128x16xf32, #tpu.memory_space<vmem_shared>>) target(%dma_start3A_108 : memref<128x16xf32, #tpu.memory_space<hbm>>) target_semaphore(%run_scoped3A : memref<!tpu.dma_semaphore, #tpu.memory_space<semaphore_mem>>)
      %dma_wait3A_111 = arith.constant 0 : i32
      %dma_wait3A_112 = arith.constant 0 : i32
      %dma_wait3A_113 = tpu.memref_slice %arg7[%arg0, %dma_wait3A_111, %dma_wait3A_112] : memref<2x10240x16xf32, #tpu.memory_space<hbm>> -> memref<1x10240x16xf32, #tpu.memory_space<hbm>>
      %dma_wait3A_114 = tpu.memref_squeeze %dma_wait3A_113 : memref<1x10240x16xf32, #tpu.memory_space<hbm>> -> memref<10240x16xf32, #tpu.memory_space<hbm>>
      %dma_wait3A_115 = arith.constant 0 : i32
      %dma_wait3A_116 = tpu.memref_slice %dma_wait3A_114[%add3A_102, %dma_wait3A_115] : memref<10240x16xf32, #tpu.memory_space<hbm>> -> memref<128x16xf32, #tpu.memory_space<hbm>>
      %dma_wait3A_117 = arith.constant 0 : i32
      %dma_wait3A_118 = tpu.memref_slice %arg16[%add3A_102, %dma_wait3A_117] : memref<10240x16xf32, #tpu.memory_space<vmem_shared>> -> memref<128x16xf32, #tpu.memory_space<vmem_shared>>
      tpu.wait_dma2 semaphore(%run_scoped3A : memref<!tpu.dma_semaphore, #tpu.memory_space<semaphore_mem>>) src(%dma_wait3A_118 : memref<128x16xf32, #tpu.memory_space<vmem_shared>>) dst(%dma_wait3A_116 : memref<128x16xf32, #tpu.memory_space<hbm>>)
      tpu.yield
    }) : () -> ()
    return
  }
}

module attributes {stable_mosaic.version = 14 : i64} {
  func.func @mm(%arg0: i32, %arg1: memref<2000x128xf32, #tpu.memory_space<vmem>>, %arg2: memref<128x128xf32, #tpu.memory_space<vmem>>, %arg3: memref<2000x128xf32, #tpu.memory_space<vmem>>) attributes {dimension_semantics = [#tpu.dimension_semantics<arbitrary>], iteration_bounds = array<i64: 5>, scalar_prefetch = 0 : i64, scratch_operands = 0 : i64, tpu.core_type = #tpu.core_type<tc>, window_params = [{transform_indices = @transform_0, window_bounds = array<i64: 2000, 128>}, {pipeline_mode = #tpu.pipeline_mode<synchronous>, transform_indices = @transform_1, window_bounds = array<i64: 128, 128>}, {transform_indices = @transform_2, window_bounds = array<i64: 2000, 128>}]} {
    %get3A = arith.constant 0 : index
    %get3A_0 = arith.constant 0 : index
    %get3A_1 = vector.load %arg1[%get3A, %get3A_0] : memref<2000x128xf32, #tpu.memory_space<vmem>>, vector<2000x128xf32>
    %get3A_2 = arith.constant 0 : index
    %get3A_3 = arith.constant 0 : index
    %get3A_4 = vector.load %arg2[%get3A_2, %get3A_3] : memref<128x128xf32, #tpu.memory_space<vmem>>, vector<128x128xf32>
    %dot_general3A = arith.constant dense<0.000000e+00> : vector<2000x128xf32>
    %dot_general3A_5 = tpu.matmul %get3A_1, %get3A_4, %dot_general3A {dimension_numbers = #tpu.dot_dimension_numbers<[1], [0], [0], [1], [0, 0, 1, 1], [], []>, transpose_lhs_hint = false} : vector<2000x128xf32>, vector<128x128xf32>, vector<2000x128xf32> -> vector<2000x128xf32>
    %swap3A = arith.constant 0 : index
    %swap3A_6 = arith.constant 0 : index
    %swap3A_7 = vector.load %arg3[%swap3A, %swap3A_6] : memref<2000x128xf32, #tpu.memory_space<vmem>>, vector<2000x128xf32>
    tpu.vector_store %arg3[%swap3A, %swap3A_6], %dot_general3A_5 {strides = array<i32>} : memref<2000x128xf32, #tpu.memory_space<vmem>>, vector<2000x128xf32>,
    return
  }
  func.func @transform_0(%arg0: i32) -> (i32, i32) {
    %c0_i32 = arith.constant 0 : i32
    %c0_i32_0 = arith.constant 0 : i32
    return %arg0, %c0_i32 : i32, i32
  }
  func.func @transform_1(%arg0: i32) -> (i32, i32) {
    %c0_i32 = arith.constant 0 : i32
    %c0_i32_0 = arith.constant 0 : i32
    %c0_i32_1 = arith.constant 0 : i32
    return %c0_i32, %c0_i32_0 : i32, i32
  }
  func.func @transform_2(%arg0: i32) -> (i32, i32) {
    %c0_i32 = arith.constant 0 : i32
    %c0_i32_0 = arith.constant 0 : i32
    return %arg0, %c0_i32 : i32, i32
  }
}

module attributes {stable_mosaic.version = 14 : i64} {
  func.func @ep(%arg0: i32, %arg1: memref<2000x128xf32, #tpu.memory_space<vmem>>, %arg2: memref<2x2000x16xf32, #tpu.memory_space<vmem>>, %arg3: memref<1x128xf32, #tpu.memory_space<vmem>>, %arg4: memref<128x1xf32, #tpu.memory_space<vmem>>, %arg5: memref<1x1xf32, #tpu.memory_space<vmem>>, %arg6: memref<2000x128xf32, #tpu.memory_space<vmem>>) attributes {dimension_semantics = [#tpu.dimension_semantics<arbitrary>], iteration_bounds = array<i64: 5>, scalar_prefetch = 0 : i64, scratch_operands = 0 : i64, tpu.core_type = #tpu.core_type<tc>, window_params = [{transform_indices = @transform_0, window_bounds = array<i64: 2000, 128>}, {transform_indices = @transform_1, window_bounds = array<i64: 2, 2000, 16>}, {pipeline_mode = #tpu.pipeline_mode<synchronous>, transform_indices = @transform_2, window_bounds = array<i64: 1, 128>}, {pipeline_mode = #tpu.pipeline_mode<synchronous>, transform_indices = @transform_3, window_bounds = array<i64: 128, 1>}, {pipeline_mode = #tpu.pipeline_mode<synchronous>, transform_indices = @transform_4, window_bounds = array<i64: 1, 1>}, {transform_indices = @transform_5, window_bounds = array<i64: 2000, 128>}]} {
    %get3A = arith.constant 0 : index
    %get3A_0 = arith.constant 0 : index
    %get3A_1 = vector.load %arg1[%get3A, %get3A_0] : memref<2000x128xf32, #tpu.memory_space<vmem>>, vector<2000x128xf32>
    %get3A_2 = arith.constant 0 : index
    %get3A_3 = arith.constant 0 : index
    %get3A_4 = arith.constant 0 : index
    %get3A_5 = vector.load %arg2[%get3A_2, %get3A_3, %get3A_4] : memref<2x2000x16xf32, #tpu.memory_space<vmem>>, vector<2x2000x16xf32>
    %slice3A = vector.extract_strided_slice %get3A_5 {offsets = [0, 0, 0], sizes = [1, 2000, 1], strides = [1, 1, 1]} : vector<2x2000x16xf32> to vector<1x2000x1xf32>
    %squeeze3A = vector.shape_cast %slice3A : vector<1x2000x1xf32> to vector<2000x1xf32>
    %slice3A_6 = vector.extract_strided_slice %get3A_5 {offsets = [1, 0, 0], sizes = [1, 2000, 1], strides = [1, 1, 1]} : vector<2x2000x16xf32> to vector<1x2000x1xf32>
    %squeeze3A_7 = vector.shape_cast %slice3A_6 : vector<1x2000x1xf32> to vector<2000x1xf32>
    %add3A = arith.addf %squeeze3A, %squeeze3A_7 : vector<2000x1xf32>
    %gt3A = arith.constant 0.000000e+00 : f32
    %gt3A_8 = vector.broadcast %gt3A : f32 to vector<2000x1xf32>
    %gt3A_9 = arith.cmpf ogt, %add3A, %gt3A_8 : vector<2000x1xf32>
    %gt3A_10 = arith.constant 0.000000e+00 : f32
    %gt3A_11 = vector.broadcast %gt3A_10 : f32 to vector<2000x1xf32>
    %gt3A_12 = arith.cmpf ogt, %add3A, %gt3A_11 : vector<2000x1xf32>
    %jit3A = arith.constant 1.000000e+00 : f32
    %broadcast_in_dim3A = vector.broadcast %jit3A : f32 to vector<2000x1xf32>
    %select_n3A = arith.select %gt3A_12, %add3A, %broadcast_in_dim3A : vector<2000x1xi1>, vector<2000x1xf32>
    %div3A = arith.constant 1.000000e+00 : f32
    %div3A_13 = vector.broadcast %div3A : f32 to vector<2000x1xf32>
    %div3A_14 = arith.divf %div3A_13, %select_n3A : vector<2000x1xf32>
    %jit3A_15 = arith.constant 0.000000e+00 : f32
    %broadcast_in_dim3A_16 = vector.broadcast %jit3A_15 : f32 to vector<2000x1xf32>
    %select_n3A_17 = arith.select %gt3A_9, %div3A_14, %broadcast_in_dim3A_16 : vector<2000x1xi1>, vector<2000x1xf32>
    %mul3A = vector.broadcast %select_n3A_17 : vector<2000x1xf32> to vector<2000x128xf32>
    %mul3A_18 = arith.mulf %get3A_1, %mul3A : vector<2000x128xf32>
    %ne3A = arith.cmpf one, %mul3A_18, %mul3A_18 : vector<2000x128xf32>
    %broadcast_in_dim3A_19 = arith.constant 0.000000e+00 : f32
    %broadcast_in_dim3A_20 = vector.broadcast %broadcast_in_dim3A_19 : f32 to vector<2000x128xf32>
    %select_n3A_21 = arith.select %ne3A, %broadcast_in_dim3A_20, %mul3A_18 : vector<2000x128xi1>, vector<2000x128xf32>
    %get3A_22 = arith.constant 0 : index
    %get3A_23 = arith.constant 0 : index
    %get3A_24 = vector.load %arg3[%get3A_22, %get3A_23] : memref<1x128xf32, #tpu.memory_space<vmem>>, vector<1x128xf32>
    %add3A_25 = vector.broadcast %get3A_24 : vector<1x128xf32> to vector<2000x128xf32>
    %add3A_26 = arith.addf %select_n3A_21, %add3A_25 : vector<2000x128xf32>
    %get3A_27 = arith.constant 0 : index
    %get3A_28 = arith.constant 0 : index
    %get3A_29 = vector.load %arg4[%get3A_27, %get3A_28] : memref<128x1xf32, #tpu.memory_space<vmem>>, vector<128x1xf32>
    %dot_general3A = arith.constant dense<0.000000e+00> : vector<2000x1xf32>
    %dot_general3A_30 = tpu.matmul %add3A_26, %get3A_29, %dot_general3A {dimension_numbers = #tpu.dot_dimension_numbers<[1], [0], [0], [1], [0, 0, 1, 1], [], []>, transpose_lhs_hint = false} : vector<2000x128xf32>, vector<128x1xf32>, vector<2000x1xf32> -> vector<2000x1xf32>
    %get3A_31 = arith.constant 0 : index
    %get3A_32 = arith.constant 0 : index
    %get3A_33 = vector.load %arg5[%get3A_31, %get3A_32] : memref<1x1xf32, #tpu.memory_space<vmem>>, vector<1x1xf32>
    %add3A_34 = vector.broadcast %get3A_33 : vector<1x1xf32> to vector<2000x1xf32>
    %add3A_35 = arith.addf %dot_general3A_30, %add3A_34 : vector<2000x1xf32>
    %logistic3A = arith.negf %add3A_35 : vector<2000x1xf32>
    %logistic3A_36 = math.exp %logistic3A : vector<2000x1xf32>
    %logistic3A_37 = arith.constant 1.000000e+00 : f32
    %logistic3A_38 = vector.broadcast %logistic3A_37 : f32 to vector<2000x1xf32>
    %logistic3A_39 = arith.addf %logistic3A_38, %logistic3A_36 : vector<2000x1xf32>
    %logistic3A_40 = arith.divf %logistic3A_38, %logistic3A_39 : vector<2000x1xf32>
    %lt3A = arith.constant 0.000000e+00 : f32
    %lt3A_41 = vector.broadcast %lt3A : f32 to vector<2000x128xf32>
    %lt3A_42 = arith.cmpf olt, %add3A_26, %lt3A_41 : vector<2000x128xf32>
    %broadcast_in_dim3A_43 = arith.constant 0.000000e+00 : f32
    %broadcast_in_dim3A_44 = vector.broadcast %broadcast_in_dim3A_43 : f32 to vector<2000x128xf32>
    %select_n3A_45 = arith.select %lt3A_42, %broadcast_in_dim3A_44, %add3A_26 : vector<2000x128xi1>, vector<2000x128xf32>
    %gt3A_46 = arith.constant 0.000000e+00 : f32
    %gt3A_47 = vector.broadcast %gt3A_46 : f32 to vector<2000x128xf32>
    %gt3A_48 = arith.cmpf ogt, %add3A_26, %gt3A_47 : vector<2000x128xf32>
    %broadcast_in_dim3A_49 = arith.constant 0.000000e+00 : f32
    %broadcast_in_dim3A_50 = vector.broadcast %broadcast_in_dim3A_49 : f32 to vector<2000x128xf32>
    %select_n3A_51 = arith.select %gt3A_48, %broadcast_in_dim3A_50, %add3A_26 : vector<2000x128xi1>, vector<2000x128xf32>
    %mul3A_52 = vector.broadcast %logistic3A_40 : vector<2000x1xf32> to vector<2000x128xf32>
    %mul3A_53 = arith.mulf %mul3A_52, %select_n3A_51 : vector<2000x128xf32>
    %add3A_54 = arith.addf %select_n3A_45, %mul3A_53 : vector<2000x128xf32>
    %swap3A = arith.constant 0 : index
    %swap3A_55 = arith.constant 0 : index
    %swap3A_56 = vector.load %arg6[%swap3A, %swap3A_55] : memref<2000x128xf32, #tpu.memory_space<vmem>>, vector<2000x128xf32>
    tpu.vector_store %arg6[%swap3A, %swap3A_55], %add3A_54 {strides = array<i32>} : memref<2000x128xf32, #tpu.memory_space<vmem>>, vector<2000x128xf32>,
    return
  }
  func.func @transform_0(%arg0: i32) -> (i32, i32) {
    %c0_i32 = arith.constant 0 : i32
    %c0_i32_0 = arith.constant 0 : i32
    return %arg0, %c0_i32 : i32, i32
  }
  func.func @transform_1(%arg0: i32) -> (i32, i32, i32) {
    %c0_i32 = arith.constant 0 : i32
    %c0_i32_0 = arith.constant 0 : i32
    %c0_i32_1 = arith.constant 0 : i32
    return %c0_i32, %arg0, %c0_i32_0 : i32, i32, i32
  }
  func.func @transform_2(%arg0: i32) -> (i32, i32) {
    %c0_i32 = arith.constant 0 : i32
    %c0_i32_0 = arith.constant 0 : i32
    %c0_i32_1 = arith.constant 0 : i32
    return %c0_i32, %c0_i32_0 : i32, i32
  }
  func.func @transform_3(%arg0: i32) -> (i32, i32) {
    %c0_i32 = arith.constant 0 : i32
    %c0_i32_0 = arith.constant 0 : i32
    %c0_i32_1 = arith.constant 0 : i32
    return %c0_i32, %c0_i32_0 : i32, i32
  }
  func.func @transform_4(%arg0: i32) -> (i32, i32) {
    %c0_i32 = arith.constant 0 : i32
    %c0_i32_0 = arith.constant 0 : i32
    %c0_i32_1 = arith.constant 0 : i32
    return %c0_i32, %c0_i32_0 : i32, i32
  }
  func.func @transform_5(%arg0: i32) -> (i32, i32) {
    %c0_i32 = arith.constant 0 : i32
    %c0_i32_0 = arith.constant 0 : i32
    return %arg0, %c0_i32 : i32, i32
  }
}

</mosaic_0001>

<sc_bundles>
// kernel: kernel.5.cloned.1.call-start
scs
__scs_entry_jumppad:
0x0: {  	(pc) =	sbr.rel $0x88, $3  }
0x1: {  	(tag) =	ssettag $0x0;
	lr =	simm.s32 $0x1  }
0x2: {  	[smem:$0x3F9B] =	sst lr;
	_ =	strace $0xD0000000  }
0x3: {  	_ = 	snop  }
0x4: {  	_ = 	snop  }
0x5: {  	_ = 	snop  }
0x6: {  	_ = 	snop  }
0x7: {  	_ = 	snop  }
__scs_overlays_trampoline_lowered:
0x8: {  	[smem:$0x3FAA] =	sst s0  }
0x9: {  	[smem:$0x3FAB] =	sst s1  }
0xa: {  	[smem:$0x3FAC] =	sst s2  }
0xb: {  	[smem:$0x3FAD] =	sst s3  }
0xc: {  	[smem:$0x3FAE] =	sst s4  }
0xd: {  	[smem:$0x3FAF] =	sst s5  }
0xe: {  	[smem:$0x3FB0] =	sst s6  }
0xf: {  	[smem:$0x3FB1] =	sst s7  }
0x10: {  	[smem:$0x3FB2] =	sst s8  }
0x11: {  	[smem:$0x3FB3] =	sst s9;
	s0 =	simm.s32 @!p0 $0x0  }
0x12: {  	s1 =	sld [smem:$0x3F99];
	s0 =	simm.s32 @p0 $0x1  }
0x13: {  	[smem:$0x3FB4] =	sst s0;
	s0 =	simm.s32 @!p1 $0x0  }
0x14: {  	s2 =	sld [smem:$0x3F98];
	s0 =	simm.s32 @p1 $0x1  }
0x15: {  	[smem:$0x3FB5] =	sst s0;
	s0 =	simm.s32 @!p2 $0x0  }
0x16: {  	s3 =	sld [smem:$0x3FDB];
	s0 =	simm.s32 @p2 $0x1  }
0x17: {  	s4 =	simm.s32 $0x1BF5;
	[smem:$0x3FB7] =	sst s0  }
0x18: {  	s0 =	sld [smem:$0x3F9A];
	_ =	swait.ge [sflag:s4], $0x0  }
0x19: {  	s7 =	sld [smem:$0x3F9B]  }
0x1a: {  	s8 =	sadd.s32 $0xFFFFE003, lr  }
0x1b: {  	s9 =	sadd.s32 $0xFFFFFEF7, lr;
	s5 =	simm.s32 $0xFFFFFFFF;
	p2 =	slt.u32 s8, $0xFFFFF086  }
0x1c: {  	p1 =	slt.u32 s9, $0xF7A;
	s5 =	simm.s32 @!p2 $0x0  }
0x1d: {  	s5 =	simm.s32 @p1 $0x1;
	p0 =	seq.s32 s7, s2  }
0x1e: {  	s7 =	smul.u32 @!p0 $0xF7A, s2;
	p2 =	seq.s32 @!p0 s5, $0x0  }
0x1f: {  	s9 =	smul.u32 $0xF7A, s1;
	s8 =	simm.s32 @!p0 $0x1BF5;
	p2 =	por !p2, p0  }
0x20: {  	[sflag:s8] =	ssyncset.s32 @!p0 $0xFFFFF086;
	s6 =	sadd.s32 @!p0 s3, s7;
	s7 =	simm.s32 @!p0 $0x108  }
0x21: {  	s3 =	sadd.s32 s3, s9;
	s6 =	sadd.s32 @!p0 $0x88, s6;
	s7 =	simm.s32 @p2 $0x1082  }
0x22: {  	[simem:s7], [sflag:s8] =	dma.local @!p0 [hbm:s6], $0xF7A  }
0x23: {  	s9 =	sor.u32 $0xD0000000, s2;
	s6 =	simm.s32 $0x108;
	_ =	swait.ge @!p0 [sflag:s8], $0x0  }
0x24: {  	s3 =	sadd.s32 $0x88, s3;
	s6 =	simm.s32 @!p1 $0x1082;
	[sflag:s4] =	ssyncset.s32 $0xFFFFF086  }
0x25: {  	[simem:s6], [sflag:s4] =	dma.local [hbm:s3], $0xF7A  }
0x26: {  	[smem:$0x3F9B] =	sst s1;
	(tag) =	ssettag s2;
	_ =	strace s9  }
0x27: {  	s1 =	sld [smem:$0x3FAB]  }
0x28: {  	s2 =	sld [smem:$0x3FAC]  }
0x29: {  	s4 =	sld [smem:$0x3FAE]  }
0x2a: {  	p0 =	seq.s32 s5, $0x0;
	s5 =	sld [smem:$0x3FAF]  }
0x2b: {  	s6 =	sld [smem:$0x3FB0]  }
0x2c: {  	s7 =	sld [smem:$0x3FB1]  }
0x2d: {  	s3 =	simm.s32 $0x108;
	s8 =	sld [smem:$0x3FB2]  }
0x2e: {  	s3 =	simm.s32 @!p0 $0x1082;
	s9 =	sld [smem:$0x3FB3]  }
0x2f: {  	lr =	sadd.s32 s0, s3;
	s0 =	sld [smem:$0x3FAA]  }
0x30: {  	s3 =	sld [smem:$0x3FAD]  }
0x31: {  	[smem:$0x3FB6] =	sst s10  }
0x32: {  	s10 =	sld [smem:$0x3FB4];
	_ =	sdelay $0x3  }
0x33: {  	p0 =	seq.s32 s10, $0x1;
	s10 =	sld [smem:$0x3FB6];
	_ =	sdelay $0x3  }
0x34: {  	[smem:$0x3FB6] =	sst s10  }
0x35: {  	s10 =	sld [smem:$0x3FB5];
	_ =	sdelay $0x3  }
0x36: {  	p1 =	seq.s32 s10, $0x1;
	s10 =	sld [smem:$0x3FB6];
	_ =	sdelay $0x3  }
0x37: {  	[smem:$0x3FB6] =	sst s10  }
0x38: {  	s10 =	sld [smem:$0x3FB7]  }
0x39: {  	_ = 	snop;
	(pc) =	sbr.ind lr, $3  }
0x3a: {  	_ = 	snop  }
0x3b: {  	_ = 	snop  }
0x3c: {  	p2 =	seq.s32 s10, $0x1;
	s10 =	sld [smem:$0x3FB6]  }
0x3d: {  	_ =	shalt  }
0x3e: {  	_ =	shalt  }
0x3f: {  	_ =	shalt  }
0x40: {  	_ =	shalt  }
0x41: {  	_ =	shalt  }
0x42: {  	_ =	shalt  }
0x43: {  	_ =	shalt  }
0x44: {  	_ =	shalt  }
0x45: {  	_ =	shalt  }
0x46: {  	_ =	shalt  }
0x47: {  	_ =	shalt  }
0x48: {  	_ =	shalt  }
0x49: {  	_ =	shalt  }
0x4a: {  	_ =	shalt  }
0x4b: {  	_ =	shalt  }
0x4c: {  	_ =	shalt  }
0x4d: {  	_ =	shalt  }
0x4e: {  	_ =	shalt  }
0x4f: {  	_ =	shalt  }
0x50: {  	_ =	shalt  }
0x51: {  	_ =	shalt  }
0x52: {  	_ =	shalt  }
0x53: {  	_ =	shalt  }
0x54: {  	_ =	shalt  }
0x55: {  	_ =	shalt  }
0x56: {  	_ =	shalt  }
0x57: {  	_ =	shalt  }
0x58: {  	_ =	shalt  }
0x59: {  	_ =	shalt  }
0x5a: {  	_ =	shalt  }
0x5b: {  	_ =	shalt  }
0x5c: {  	_ =	shalt  }
0x5d: {  	_ =	shalt  }
0x5e: {  	_ =	shalt  }
0x5f: {  	_ =	shalt  }
0x60: {  	_ =	shalt  }
0x61: {  	_ =	shalt  }
0x62: {  	_ =	shalt  }
0x63: {  	_ =	shalt  }
0x64: {  	_ =	shalt  }
0x65: {  	_ =	shalt  }
0x66: {  	_ =	shalt  }
0x67: {  	_ =	shalt  }
0x68: {  	_ =	shalt  }
0x69: {  	_ =	shalt  }
0x6a: {  	_ =	shalt  }
0x6b: {  	_ =	shalt  }
0x6c: {  	_ =	shalt  }
0x6d: {  	_ =	shalt  }
0x6e: {  	_ =	shalt  }
0x6f: {  	_ =	shalt  }
0x70: {  	_ =	shalt  }
0x71: {  	_ =	shalt  }
0x72: {  	_ =	shalt  }
0x73: {  	_ =	shalt  }
0x74: {  	_ =	shalt  }
0x75: {  	_ =	shalt  }
0x76: {  	_ =	shalt  }
0x77: {  	_ =	shalt  }
0x78: {  	_ =	shalt  }
0x79: {  	_ =	shalt  }
0x7a: {  	_ =	shalt  }
0x7b: {  	_ =	shalt  }
0x7c: {  	_ =	shalt  }
0x7d: {  	_ =	shalt  }
0x7e: {  	_ =	shalt  }
0x7f: {  	_ =	shalt  }
0x80: {  	_ =	shalt  }
0x81: {  	_ =	shalt  }
0x82: {  	_ =	shalt  }
0x83: {  	_ =	shalt  }
0x84: {  	_ =	shalt  }
0x85: {  	_ =	shalt  }
0x86: {  	_ =	shalt  }
0x87: {  	_ =	shalt  }
.Lfunc_end0:
.L_simem_size_0:
called_computation_lowered:
.L_overlay_start_0:
0x88: {  	s2 =	sld [smem:$0x3FD9]  }
0x89: {  	s3 =	sld [smem:$0x3FFE];
	_ =	sdelay $0x1  }
0x8a: {  	s1 =	srdreg.scid  }
0x8b: {  	s0 =	sand.u32 $0x1, s1  }
0x8c: {  	s17 =	sshll.u32 s0, $0xA;
	s2 =	sadd.s32 s3, s2  }
0x8d: {  	s2 =	sadd.s32 s2, s17  }
0x8e: {  	[smem:$0x3FC2] =	sst s2  }
0x8f: {  	_ = 	snop  }
0x90: {  	s2 =	sld [smem:$0x3FC8]  }
0x91: {  	s18 =	sld [smem:$0x3FD0];
	(tm) =	ssettm $0x1  }
0x92: {  	s4 =	sld [smem:$0x3FFB];
	_ =	sdelay $0x3  }
0x93: {  	_ =	strace s4  }
0x94: {  	s4 =	sld [smem:$0x3FFC];
	_ =	sdelay $0x3  }
0x95: {  	_ =	strace s4  }
0x96: {  	s4 =	sld [smem:$0x3FFD];
	_ =	sdelay $0x3  }
0x97: {  	_ =	strace s4  }
0x98: {  	_ =	strace $0x8FFFFFFF  }
0x99: {  	s19 =	sld [smem:$0x3FDB];
	_ =	sdelay $0x1  }
0x9a: {  	s5 =	simm.s32 $_scs_section_size  }
0x9b: {  	s6 =	simm.s32 $_size__tile_overlayer_lowered;
	s7 =	simm.s32 $_tile_overlayer_lowered  }
0x9c: {  	s22 =	simm.s32 $0x1BFF;
	s21 =	sshll.u32 s7, $0x1;
	s4 =	sadd.s32 s5, s19  }
0x9d: {  	s8 =	simm.s32 $0x0;
	s20 =	sshll.u32 s6, $0x1;
	s6 =	sadd.s32 s21, s4  }
0x9e: {  	[timem:s8], [sflag:s22] =	dma.local [hbm:s6], s20  }
0x9f: {  	_ =	swait.ge [sflag:s22], s20  }
0xa0: {  	s5 =	ssub.s32 $0x0, s20;
	[sflag:s22] =	ssyncset.done $0x0  }
0xa1: {  	[sflag:s22] =	ssyncadd.s32 s5;
	_ =	sdelay $0x1  }
0xa2: {  	s23 =	simm.s32 $0x1B8B  }
0xa3: {  	_ =	swait.ge [sflag:s23], $0x1  }
0xa4: {  	[sflag:s23] =	ssyncset.done $0x0  }
0xa5: {  	s25 =	simm.s32 $0x1B8E;
	s24 =	sld [smem:$0x3FFE];
	[sflag:s23] =	ssyncadd.s32 $0xFFFFFFFF  }
0xa6: {  	s26 =	simm.s32 $execute0_lowered;
	[smem:$0x3FD2] =	sst s25  }
0xa7: {  	s6 =	sshll.u32 s26, $0x1;
	_ =	strace $0x80000046;
	[dreg:$0x1] =	wrdreg $0xFFFFFFFF  }
0xa8: {  	s28 =	simm.s32 $_size_execute0_lowered;
	s4 =	sadd.s32 s4, s6;
	[dreg:$0x0] =	wrdreg $0x0  }
0xa9: {  	s6 =	sshll.u32 s28, $0x1;
	[dreg:$0x2] =	wrdreg s4  }
0xaa: {  	[dreg:$0x3] =	wrdreg s6  }
0xab: {  	[dreg:$0x4] =	wrdreg $0xC0  }
0xac: {  	_ =	task [dreg:s8], $0x5FFFF  }
0xad: {  	[dreg:$0x1] =	wrdreg $0xFFFFFFFF  }
0xae: {  	[dreg:$0x0] =	wrdreg $0x60  }
0xaf: {  	[dreg:$0x2] =	wrdreg s18  }
0xb0: {  	[dreg:$0x3] =	wrdreg s2  }
0xb1: {  	[dreg:$0x4] =	wrdreg s24  }
0xb2: {  	[dreg:$0x5] =	wrdreg $0x128000  }
0xb3: {  	[dreg:$0x6] =	wrdreg $0x1C8000  }
0xb4: {  	[dreg:$0x7] =	wrdreg $0x9  }
0xb5: {  	_ =	task.clear_ibuf [dreg:s8], $0x8FFFF;
	_ =	strace $0x90000046  }
0xb6: {  	s29 =	simm.s32 $0x9;
	_ =	strace $0x80000048  }
0xb7: {  	_ =	swait.ge [sflag:s29], $0x1  }
0xb8: {  	[sflag:s29] =	ssyncadd.s32 $0xFFFFFFFF  }
0xb9: {  	_ =	strace $0x90000048  }
0xba: {  	_ =	sfence  }
0xbb: {  	s30 =	sld [smem:$0x0];
	_ =	sdelay $0x2  }
0xbc: {  	s31 =	sshll.u32 s1, $0xD;
	s1 =	sshrl.u32 s1, $0x2  }
0xbd: {  	s3 =	sand.u32 $0x4000, s31;
	s1 =	sadd.s32 s1, s30  }
0xbe: {  	s0 =	sor.u32 s3, s0;
	s1 =	sshll.u32 s1, $0x11  }
0xbf: {  	s0 =	sor.u32 s1, s0  }
0xc0: {  	s0 =	sadd.s32 $0x8F2B, s0  }
0xc1: {  	[sflag:s0] =	ssyncadd.remote.s32 $0x1  }
0xc2: {  	_ =	sfence.sel $0xFFFF  }
0xc3: {  	[dreg:$0x0] =	wrdreg $0xFFFFFFFF;
	(pc) =	sbr.abs _section_cstart, $3  }
0xc4: {  	[dreg:$0x1] =	wrdreg $0xFFFFFFFF  }
0xc5: {  	_ =	task.clear_ibuf [dreg:s8], $0x2FFFF;
	_ =	strace $0x9FFFFFFF  }
0xc6: {  	(tm) =	ssettm $0x7FFFFFFF  }
0xc7: {  	_ =	shalt  }
tec
execute0_lowered:
.L_overlay_start_1:
0x0: {  	(tag) =	ssettag $0x1  }
0x1: {  	s1 =	rddreg [dreg:$0x0]  }
0x2: {  	s6 =	rddreg [dreg:$0x1]  }
0x3: {  	s7 =	rddreg [dreg:$0x2]  }
0x4: {  	s2 =	rddreg [dreg:$0x3]  }
0x5: {  	s3 =	rddreg [dreg:$0x4];
	s22 =	stileid.u32  }
0x6: {  	s0 =	srdreg.scid;
	s5 =	simm.s32 $0x0;
	s8 =	smul.u32 $0x280, s22  }
0x7: {  	s0 =	sand.u32 $0x1, s0;
	[smem:$0x7FF] =	sst s5;
	s11 =	smul.u32 $0x1400, s22  }
0x8: {  	s9 =	sadd.s32 $0xC000, s7;
	s13 =	smul.u32 $0x14000, s22;
	p0 =	seq.s32 s22, $0xF  }
0x9: {  	s4 =	smul.u32 $0x5000, s0;
	s10 =	ssub.s32 $0x2, s0;
	s14 =	sshll.u32 s0, $0x6  }
0xa: {  	p1 =	sne.s32 s0, $0x0;
	p2 =	seq.s32 s0, $0x0;
	s21 =	sshrl.u32 s10, $0x1  }
0xb: {  	s15 =	sadd.s32 $0x80, s8;
	s16 =	sadd.s32 $0x100, s8;
	s13 =	sor.u32 s14, s13  }
0xc: {  	s17 =	sadd.s32 $0x180, s8;
	s8 =	sadd.s32 $0x200, s8;
	s11 =	sadd.s32 s6, s11  }
0xd: {  	s12 =	sadd.s32 s4, s7;
	s4 =	ssub.s32 s10, s21;
	s10 =	smul.u32 $0x2800, s22  }
0xe: {  	s13 =	sshrl.u32 s13, $0x3;
	s18 =	sshll.u32 s15, $0x7;
	s25 =	sshll.u32 s15, $0x1  }
0xf: {  	s19 =	sshll.u32 s16, $0x7;
	s20 =	sshll.u32 s17, $0x7;
	s21 =	sshll.u32 s8, $0x7  }
0x10: {  	s31 =	sshll.u32 s16, $0x1;
	s13 =	sadd.s32 s9, s13;
	s23 =	sor.u32 s14, s18  }
0x11: {  	s12 =	sadd.s32 $0x2000, s12;
	s19 =	sor.u32 s14, s19;
	s20 =	sor.u32 s14, s20  }
0x12: {  	s14 =	sor.u32 s14, s21;
	s4 =	smax.u32 s4, $0x1;
	[dreg:$0x6] =	wrdreg s13  }
0x13: {  	s24 =	sshrl.u32 s10, $0x3;
	s13 =	sshrl.u32 s23, $0x3;
	s19 =	sshrl.u32 s19, $0x3  }
0x14: {  	s26 =	sshrl.u32 s20, $0x3;
	s14 =	sshrl.u32 s14, $0x3;
	s23 =	sadd.s32 s31, s12  }
0x15: {  	s31 =	sadd.s32 $0x12C10, s6;
	s6 =	sadd.s32 $0x12C00, s6;
	s20 =	sshll.u32 s8, $0x6  }
0x16: {  	s13 =	sadd.s32 s9, s13;
	s19 =	sadd.s32 s9, s19;
	[dreg:$0xd] =	wrdreg s23  }
0x17: {  	s21 =	sadd.s32 s24, s12;
	s24 =	sshll.u32 s8, $0x1;
	[dreg:$0x7] =	wrdreg s13  }
0x18: {  	s8 =	sshll.u32 s8, $0x4;
	[dreg:$0x8] =	wrdreg s19;
	s19 =	sadd.s32 s9, s26  }
0x19: {  	s9 =	sadd.s32 s9, s14;
	[dreg:$0xb] =	wrdreg s21;
	s13 =	sadd.s32 s25, s12  }
0x1a: {  	s25 =	smul.u32 $0x28000, s22;
	s26 =	sadd.s32 $0x1800, s7;
	[dreg:$0x9] =	wrdreg s19  }
0x1b: {  	s7 =	sadd.s32 $0x1C00, s7;
	[dreg:$0xa] =	wrdreg s9;
	s19 =	sshll.u32 s17, $0x1  }
0x1c: {  	s14 =	sshll.u32 s16, $0x6;
	[dreg:$0xc] =	wrdreg s13;
	s9 =	sadd.s32 s19, s12  }
0x1d: {  	s21 =	sadd.s32 s20, s2;
	[dreg:$0xe] =	wrdreg s9;
	s9 =	sadd.s32 s24, s12  }
0x1e: {  	s23 =	sadd.s32 s8, s3;
	s8 =	simm.s32 $0xC000;
	[dreg:$0xf] =	wrdreg s9  }
0x1f: {  	s13 =	sshll.u32 s15, $0x4;
	_ =	strace $0x80000047;
	[dreg:$0x10] =	wrdreg s26  }
0x20: {  	s29 =	sadd.s32 s14, s2;
	s12 =	sshll.u32 s15, $0x6;
	[dreg:$0x11] =	wrdreg s7  }
0x21: {  	s15 =	sshll.u32 s16, $0x4;
	s16 =	sshll.u32 s17, $0x6;
	[dreg:$0x13] =	wrdreg s31  }
0x22: {  	s14 =	simm.s32 $0x7;
	s18 =	sadd.s32 s16, s2;
	[dreg:$0x14] =	wrdreg s6  }
0x23: {  	s28 =	sadd.s32 s13, s3;
	s19 =	sshll.u32 s17, $0x4;
	[dreg:$0x18] =	wrdreg s18  }
0x24: {  	s13 =	simm.s32 $0x1;
	s17 =	simm.s32 $0x3;
	[dreg:$0x1a] =	wrdreg s21  }
0x25: {  	s9 =	sshrl.u32 s25, $0x2;
	s25 =	sadd.s32 s10, s3;
	[dreg:$0x1b] =	wrdreg s23  }
0x26: {  	s30 =	sadd.s32 s15, s3;
	s10 =	simm.s32 $0x10000;
	[dreg:$0x1c] =	wrdreg s4  }
0x27: {  	s15 =	simm.s32 $0x8;
	s16 =	simm.s32 $0x2;
	[dreg:$0x12] =	wrdreg s11  }
.Ltmp0:
0x28: {  	s24 =	sadd.s32 s9, s2;
	[dreg:$0x15] =	wrdreg s28;
	(pc) =	sbr.rel .LBB2_1-.Ltmp0, $4  }
0x29: {  	s26 =	sadd.s32 s12, s2;
	s6 =	sadd.s32 s19, s3;
	[dreg:$0x16] =	wrdreg s29  }
0x2a: {  	s31 =	sadd.s32 $0x10, s11;
	s7 =	simm.s32 $0xA000;
	[dreg:$0x17] =	wrdreg s30  }
0x2b: {  	s9 =	simm.s32 $0xE000;
	s11 =	simm.s32 $0x9;
	[dreg:$0x19] =	wrdreg s6  }
0x2c: {  	v1 =	vimm.f32 $0.0e+00;
	v2 =	vimm.f32 $1.000000000e+00;
	v0 =	vmov s0;
	s19 =	simm.s32 $0x4;
	[dreg:$0x1d] =	wrdreg s31;
	s6 =	simm.s32 $0x80  }
.LBB2_10:
0x2d: {  	s4 =	simm.s32 $0x5  }
0x2e: {  	_ =	swait.ge [sflag:s4], $0x2000  }
0x2f: {  	[sflag:s4] =	ssyncset.done $0x0  }
0x30: {  	s25 =	simm.s32 $0x6;
	[sflag:s4] =	ssyncadd.s32 $0xFFFFE000  }
0x31: {  	_ =	swait.ge [sflag:s25], $0x2000  }
0x32: {  	[sflag:s25] =	ssyncset.done $0x0  }
0x33: {  	[sflag:s25] =	ssyncadd.s32 $0xFFFFE000  }
0x34: {  	_ =	swait.ge [sflag:s14], $0x2000  }
0x35: {  	[sflag:s14] =	ssyncset.done $0x0  }
0x36: {  	[sflag:s14] =	ssyncadd.s32 $0xFFFFE000  }
0x37: {  	_ =	swait.ge [sflag:s15], $0x2000  }
0x38: {  	[sflag:s15] =	ssyncset.done $0x0  }
0x39: {  	s26 =	stileid.u32;
	[sflag:s15] =	ssyncadd.s32 $0xFFFFE000  }
0x3a: {  	s18 =	sshrl.u32 s31, $0x3;
	s4 =	sshll.u32 s26, $0x6;
	[bflag:$0x0] =	sbarrier.arrive $0xFFFF  }
0x3b: {  	s21 =	simm.s32 $0x10;
	s4 =	sor.u32 $0x1C09, s4;
	s20 =	rddreg [dreg:$0x6]  }
0x3c: {  	[hbm:s20@s21], [sflag:s4] =	dma.strided [spmem:s18@s15], $0x400, s13, $0x8   }
0x3d: {  	_ =	swait.ge [sflag:s11], $0x400  }
0x3e: {  	s24 =	smov.u32 s31;
	s31 =	sshrl.u32 s12, $0x3;
	[sflag:s11] =	ssyncset.done $0x0  }
0x3f: {  	s25 =	smov.u32 s12;
	s12 =	rddreg [dreg:$0xb];
	[sflag:s11] =	ssyncadd.s32 $0xFFFFFC00  }
0x40: {  	[hbm:s12], [sflag:s4] =	dma.local [spmem:s31], $0x100  }
0x41: {  	_ =	swait.ge [sflag:s11], $0x100  }
0x42: {  	[sflag:s11] =	ssyncset.done $0x0  }
0x43: {  	s20 =	sshrl.u32 s0, $0x3;
	s22 =	rddreg [dreg:$0x7];
	[sflag:s11] =	ssyncadd.s32 $0xFFFFFF00  }
0x44: {  	[hbm:s22@s21], [sflag:s4] =	dma.strided [spmem:s20@s15], $0x400, s13, $0x8   }
0x45: {  	_ =	swait.ge [sflag:s11], $0x400  }
0x46: {  	[sflag:s11] =	ssyncset.done $0x0;
	s28 =	rddreg [dreg:$0x15]  }
0x47: {  	s31 =	rddreg [dreg:$0xc];
	[sflag:s11] =	ssyncadd.s32 $0xFFFFFC00;
	s23 =	sshrl.u32 s28, $0x3  }
0x48: {  	[hbm:s31], [sflag:s4] =	dma.local [spmem:s23], $0x100  }
0x49: {  	_ =	swait.ge [sflag:s11], $0x100  }
0x4a: {  	s26 =	smov.u32 s0;
	[sflag:s11] =	ssyncset.done $0x0;
	s29 =	rddreg [dreg:$0x16]  }
0x4b: {  	s12 =	rddreg [dreg:$0x8];
	[sflag:s11] =	ssyncadd.s32 $0xFFFFFF00;
	s0 =	sshrl.u32 s29, $0x3  }
0x4c: {  	[hbm:s12@s21], [sflag:s4] =	dma.strided [spmem:s0@s15], $0x400, s13, $0x8   }
0x4d: {  	_ =	swait.ge [sflag:s11], $0x400  }
0x4e: {  	[sflag:s11] =	ssyncset.done $0x0;
	s30 =	rddreg [dreg:$0x17]  }
0x4f: {  	s23 =	rddreg [dreg:$0xd];
	[sflag:s11] =	ssyncadd.s32 $0xFFFFFC00;
	s22 =	sshrl.u32 s30, $0x3  }
0x50: {  	[hbm:s23], [sflag:s4] =	dma.local [spmem:s22], $0x100  }
0x51: {  	_ =	swait.ge [sflag:s11], $0x100  }
0x52: {  	[sflag:s11] =	ssyncset.done $0x0;
	s31 =	rddreg [dreg:$0x18]  }
0x53: {  	s12 =	rddreg [dreg:$0x9];
	[sflag:s11] =	ssyncadd.s32 $0xFFFFFF00;
	s0 =	sshrl.u32 s31, $0x3  }
0x54: {  	[hbm:s12@s21], [sflag:s4] =	dma.strided [spmem:s0@s15], $0x400, s13, $0x8   }
0x55: {  	_ =	swait.ge [sflag:s11], $0x400  }
0x56: {  	[sflag:s11] =	ssyncset.done $0x0;
	s20 =	rddreg [dreg:$0x19]  }
0x57: {  	s23 =	rddreg [dreg:$0xe];
	[sflag:s11] =	ssyncadd.s32 $0xFFFFFC00;
	s22 =	sshrl.u32 s20, $0x3  }
0x58: {  	[hbm:s23], [sflag:s4] =	dma.local [spmem:s22], $0x100  }
0x59: {  	_ =	swait.ge [sflag:s11], $0x100  }
0x5a: {  	[sflag:s11] =	ssyncset.done $0x0;
	s31 =	rddreg [dreg:$0x1a]  }
0x5b: {  	s12 =	rddreg [dreg:$0xa];
	[sflag:s11] =	ssyncadd.s32 $0xFFFFFF00;
	s0 =	sshrl.u32 s31, $0x3  }
0x5c: {  	[hbm:s12@s21], [sflag:s4] =	dma.strided [spmem:s0@s15], $0x400, s13, $0x8   }
0x5d: {  	_ =	swait.ge [sflag:s11], $0x400  }
0x5e: {  	[sflag:s11] =	ssyncset.done $0x0;
	s21 =	rddreg [dreg:$0x1b]  }
0x5f: {  	s23 =	rddreg [dreg:$0xf];
	[sflag:s11] =	ssyncadd.s32 $0xFFFFFC00;
	s22 =	sshrl.u32 s21, $0x3  }
0x60: {  	[hbm:s23], [sflag:s4] =	dma.local [spmem:s22], $0x100  }
0x61: {  	_ =	swait.ge [sflag:s11], $0x100  }
0x62: {  	s5 =	sadd.s32 $0x1, s5;
	s31 =	rddreg [dreg:$0x1c]  }
0x63: {  	p3 =	sne.s32 s5, s31  }
.Ltmp1:
0x64: {  	_ = 	snop;
	(pc) =	sbr.rel @!p3 .LBB2_11-.Ltmp1, $3  }
0x65: {  	_ =	sdelay $0x1  }
0x66: {  	[sflag:s11] =	ssyncset.done $0x0  }
0x67: {  	[sflag:s11] =	ssyncadd.s32 $0xFFFFFF00  }
.LBB2_1:
0x68: {  	s4 =	simm.s32 @p0 $0x80  }
0x69: {  	s18 =	simm.s32 @p0 $0x100;
	s20 =	simm.s32 @p0 $0x0;
	s21 =	rddreg [dreg:$0x13]  }
0x6a: {  	[tilespmem:s20], [sflag:$0x9] =	stream.strided.gather @p0 [hbm4b:s21+s4], $0x3200, s18, s4, $0x38;
	[tilespmem:$0x1F000] =	vst v63  }
0x6b: {  	s21 =	simm.s32 @p0 $0x9  }
0x6c: {  	_ =	swait.ge @p0 [sflag:s21], $0x3200  }
0x6d: {  	[sflag:s21] =	ssyncset.done @p0 $0x0  }
0x6e: {  	s22 =	simm.s32 @p0 $0x5000;
	s23 =	rddreg [dreg:$0x14];
	[sflag:s21] =	ssyncadd.s32 @p0 $0xFFFFCE00  }
0x6f: {  	[tilespmem:s22], [sflag:$0x9] =	stream.strided.gather @p0 [hbm4b:s23+s4], $0x3200, s18, s4, $0x38;
	[tilespmem:$0x1F000] =	vst v63  }
0x70: {  	_ =	swait.ge @p0 [sflag:s21], $0x3200  }
0x71: {  	[sflag:s21] =	ssyncset.done @p0 $0x0  }
0x72: {  	s4 =	simm.s32 @p0 $0x3200;
	s18 =	rddreg [dreg:$0x10];
	[sflag:s21] =	ssyncadd.s32 @p0 $0xFFFFCE00  }
0x73: {  	[tilespmem:s4], [sflag:$0x9] =	stream.linear.gather @p0 [hbm4b:s18+s20], $0x1E00, $0x38;
	[tilespmem:$0x1F000] =	vst v63  }
0x74: {  	_ =	swait.ge @p0 [sflag:s21], $0x1E00  }
0x75: {  	[sflag:s21] =	ssyncset.done @p0 $0x0  }
0x76: {  	s4 =	simm.s32 @p0 $0x8200;
	s18 =	rddreg [dreg:$0x11];
	[sflag:s21] =	ssyncadd.s32 @p0 $0xFFFFE200  }
0x77: {  	[tilespmem:s4], [sflag:$0x9] =	stream.linear.gather @p0 [hbm4b:s18+s20], $0x1E00, $0x38;
	[tilespmem:$0x1F000] =	vst v63  }
0x78: {  	_ =	swait.ge @p0 [sflag:s21], $0x1E00  }
0x79: {  	s4 =	simm.s32 @!p0 $0x80;
	s18 =	simm.s32 @!p0 $0x100;
	[sflag:s21] =	ssyncset.done @p0 $0x0  }
0x7a: {  	s20 =	simm.s32 @!p0 $0x0;
	s0 =	rddreg [dreg:$0x1d];
	[sflag:s21] =	ssyncadd.s32 @p0 $0xFFFFE200  }
0x7b: {  	[tilespmem:s20], [sflag:$0x9] =	stream.strided.gather @!p0 [hbm4b:s0+s4], $0x5000, s18, s4, $0x38;
	[tilespmem:$0x1F000] =	vst v63  }
0x7c: {  	s20 =	simm.s32 @!p0 $0x9  }
0x7d: {  	_ =	swait.ge @!p0 [sflag:s20], $0x5000  }
0x7e: {  	[sflag:s20] =	ssyncset.done @!p0 $0x0  }
0x7f: {  	s21 =	simm.s32 @!p0 $0x5000;
	s22 =	rddreg [dreg:$0x12];
	[sflag:s20] =	ssyncadd.s32 @!p0 $0xFFFFB000  }
0x80: {  	[tilespmem:s21], [sflag:$0x9] =	stream.strided.gather @!p0 [hbm4b:s22+s4], $0x5000, s18, s4, $0x38;
	[tilespmem:$0x1F000] =	vst v63  }
0x81: {  	_ =	swait.ge @!p0 [sflag:s20], $0x5000  }
0x82: {  	[sflag:s20] =	ssyncset.done @!p0 $0x0  }
0x83: {  	s4 =	simm.s32 $0x0;
	[sflag:s20] =	ssyncadd.s32 @!p0 $0xFFFFB000  }
0x84: {  	v4 =	vld [tilespmem:s4+$0x0]  }
0x85: {  	v5 =	vld [tilespmem:s4+$0x10]  }
0x86: {  	v7 =	vld [tilespmem:s4+$0x20]  }
0x87: {  	v6 =	vld [tilespmem:s4+$0x30]  }
0x88: {  	v3 =	vld [tilespmem:s4+$0x40]  }
0x89: {  	v8 =	vshll.u32 v4, $0x1;
	v4 =	vld [tilespmem:s4+$0x50]  }
0x8a: {  	s18 =	simm.s32 $0x200;
	v9 =	vshll.u32 v5, $0x1;
	v5 =	vld [tilespmem:s4+$0x60];
	v8 =	vor.u32 v0, v8  }
.LBB2_2:
0x8b: {  	s20 =	sshra.s32 s18, $0x2;
	p3 =	sne.s32 s18, $0x13E00;
	[tilespmem:s4+$0x0] =	vst v8;
	v8 =	vor.u32 v0, v9;
	v7 =	vshll.u32 v7, $0x1;
	v9 =	vld [tilespmem:s4+$0x70]  }
0x8c: {  	v10 =	vld [tilespmem:s20+$0x0];
	[tilespmem:s4+$0x10] =	vst v8;
	v7 =	vor.u32 v0, v7;
	v6 =	vshll.u32 v6, $0x1  }
0x8d: {  	v11 =	vld [tilespmem:s20+$0x10];
	[tilespmem:s4+$0x20] =	vst v7;
	v6 =	vor.u32 v0, v6;
	v3 =	vshll.u32 v3, $0x1  }
.Ltmp2:
0x8e: {  	v7 =	vld [tilespmem:s20+$0x20];
	[tilespmem:s4+$0x30] =	vst v6;
	v3 =	vor.u32 v0, v3;
	v4 =	vshll.u32 v4, $0x1;
	(pc) =	sbr.rel @p3 .LBB2_2-.Ltmp2, $4  }
0x8f: {  	v6 =	vld [tilespmem:s20+$0x30];
	[tilespmem:s4+$0x40] =	vst v3;
	v4 =	vor.u32 v0, v4;
	v5 =	vshll.u32 v5, $0x1  }
0x90: {  	v3 =	vld [tilespmem:s20+$0x40];
	[tilespmem:s4+$0x50] =	vst v4;
	v5 =	vor.u32 v0, v5;
	v8 =	vshll.u32 v9, $0x1  }
0x91: {  	v9 =	vshll.u32 v10, $0x1;
	v4 =	vld [tilespmem:s20+$0x50];
	[tilespmem:s4+$0x60] =	vst v5;
	v10 =	vor.u32 v0, v8  }
0x92: {  	s18 =	sadd.s32 $0x200, s18;
	v8 =	vor.u32 v0, v9;
	v9 =	vshll.u32 v11, $0x1;
	v5 =	vld [tilespmem:s20+$0x60];
	[tilespmem:s4+$0x70] =	vst v10;
	s4 =	smov.u32 s20  }
0x93: {  	[tilespmem:s4+$0x0] =	vst v8;
	v60 =	vor.u32 v0, v9;
	v7 =	vshll.u32 v7, $0x1;
	v61 =	vld [tilespmem:s4+$0x70]  }
0x94: {  	[tilespmem:s4+$0x10] =	vst v60;
	v7 =	vor.u32 v0, v7;
	v6 =	vshll.u32 v6, $0x1  }
0x95: {  	[tilespmem:s4+$0x20] =	vst v7;
	v6 =	vor.u32 v0, v6;
	v3 =	vshll.u32 v3, $0x1  }
0x96: {  	[tilespmem:s4+$0x30] =	vst v6;
	v3 =	vor.u32 v0, v3;
	v4 =	vshll.u32 v4, $0x1  }
0x97: {  	[tilespmem:s4+$0x40] =	vst v3;
	v3 =	vor.u32 v0, v4;
	v62 =	vshll.u32 v5, $0x1  }
0x98: {  	[tilespmem:s4+$0x50] =	vst v3;
	v3 =	vor.u32 v0, v62;
	v63 =	vshll.u32 v61, $0x1  }
0x99: {  	[tilespmem:s4+$0x60] =	vst v3;
	v3 =	vor.u32 v0, v63  }
0x9a: {  	s31 =	simm.s32 $0x0;
	[tilespmem:s4+$0x70] =	vst v3  }
0x9b: {  	[tilespmem:s7], [sflag:$0x1] =	stream.indirect.gather [hbm4b:s1+s6], $0x40, s31, s6, $0xb8;
	[tilespmem:$0x1F000] =	vst v63  }
0x9c: {  	_ = 	snop  }
0x9d: {  	[tilespmem:s8], [sflag:$0x2] =	stream.indirect.gather [hbm4b:s1+s6], $0x40, s6, s6, $0xb8;
	[tilespmem:$0x1F000] =	vst v63  }
0x9e: {  	s0 =	simm.s32 $0x100;
	s4 =	simm.s32 $0x10020  }
0x9f: {  	[tilespmem:s9], [sflag:$0x3] =	stream.indirect.gather [hbm4b:s1+s6], $0x40, s0, s6, $0xb8;
	[tilespmem:$0x1F000] =	vst v63  }
0xa0: {  	[tilespmem:s4+$0x0] =	vst v1  }
0xa1: {  	[tilespmem:s4+$0xFFFFFFE0] =	vst v1  }
0xa2: {  	[tilespmem:s4+$0x10] =	vst v1  }
0xa3: {  	s18 =	simm.s32 $0x40;
	s20 =	simm.s32 $0x0;
	[tilespmem:s4+$0xFFFFFFF0] =	vst v1  }
.LBB2_4:
0xa4: {  	p3 =	sne.s32 s18, $0x1FC0  }
0xa5: {  	[tilespmem:s20+$0x12000] =	vst v1;
	s4 =	sadd.s32 $0x40, s4;
	s20 =	smov.u32 s18;
	s18 =	sadd.s32 $0x40, s18  }
.Ltmp3:
0xa6: {  	[tilespmem:s4+$0x0] =	vst v1;
	(pc) =	sbr.rel @p3 .LBB2_4-.Ltmp3, $4  }
0xa7: {  	_ = 	snop  }
0xa8: {  	[tilespmem:s4+$0xFFFFFFE0] =	vst v1  }
0xa9: {  	[tilespmem:s4+$0x10] =	vst v1  }
0xaa: {  	s20 =	sshra.s32 s20, $0x2;
	[tilespmem:s4+$0xFFFFFFF0] =	vst v1  }
0xab: {  	[tilespmem:s20+$0x12000] =	vst v1  }
0xac: {  	[spmem:s24] =	stream.linear.scatter [tilespmem:s10], [sflag:$0x9], $0x2000, $0x38;
	[tilespmem:$0x1F000] =	vst v63  }
0xad: {  	_ =	swait.ge [sflag:s11], $0x2000  }
0xae: {  	[sflag:s11] =	ssyncset.done $0x0  }
0xaf: {  	s18 =	simm.s32 $0x12000;
	[sflag:s11] =	ssyncadd.s32 $0xFFFFE000  }
0xb0: {  	[spmem:s25] =	stream.linear.scatter [tilespmem:s18], [sflag:$0x9], $0x800, $0x38;
	[tilespmem:$0x1F000] =	vst v63  }
0xb1: {  	_ =	swait.ge [sflag:s11], $0x800  }
0xb2: {  	[sflag:s11] =	ssyncset.done $0x0  }
0xb3: {  	[sflag:s11] =	ssyncadd.s32 $0xFFFFF800  }
0xb4: {  	[spmem:s26] =	stream.linear.scatter [tilespmem:s10], [sflag:$0x9], $0x2000, $0x38;
	[tilespmem:$0x1F000] =	vst v63  }
0xb5: {  	_ =	swait.ge [sflag:s11], $0x2000  }
0xb6: {  	[sflag:s11] =	ssyncset.done $0x0  }
0xb7: {  	[sflag:s11] =	ssyncadd.s32 $0xFFFFE000  }
0xb8: {  	[spmem:s28] =	stream.linear.scatter [tilespmem:s18], [sflag:$0x9], $0x800, $0x38;
	[tilespmem:$0x1F000] =	vst v63  }
0xb9: {  	_ =	swait.ge [sflag:s11], $0x800  }
0xba: {  	[sflag:s11] =	ssyncset.done $0x0  }
0xbb: {  	[sflag:s11] =	ssyncadd.s32 $0xFFFFF800  }
0xbc: {  	[spmem:s29] =	stream.linear.scatter [tilespmem:s10], [sflag:$0x9], $0x2000, $0x38;
	[tilespmem:$0x1F000] =	vst v63  }
0xbd: {  	_ =	swait.ge [sflag:s11], $0x2000  }
0xbe: {  	[sflag:s11] =	ssyncset.done $0x0  }
0xbf: {  	[sflag:s11] =	ssyncadd.s32 $0xFFFFE000  }
0xc0: {  	[spmem:s30] =	stream.linear.scatter [tilespmem:s18], [sflag:$0x9], $0x800, $0x38;
	[tilespmem:$0x1F000] =	vst v63  }
0xc1: {  	_ =	swait.ge [sflag:s11], $0x800  }
0xc2: {  	[sflag:s11] =	ssyncset.done $0x0  }
0xc3: {  	s4 =	rddreg [dreg:$0x18];
	[sflag:s11] =	ssyncadd.s32 $0xFFFFF800  }
0xc4: {  	[spmem:s4] =	stream.linear.scatter [tilespmem:s10], [sflag:$0x9], $0x2000, $0x38;
	[tilespmem:$0x1F000] =	vst v63  }
0xc5: {  	_ =	swait.ge [sflag:s11], $0x2000  }
0xc6: {  	[sflag:s11] =	ssyncset.done $0x0  }
0xc7: {  	s28 =	rddreg [dreg:$0x19];
	[sflag:s11] =	ssyncadd.s32 $0xFFFFE000  }
0xc8: {  	[spmem:s28] =	stream.linear.scatter [tilespmem:s18], [sflag:$0x9], $0x800, $0x38;
	[tilespmem:$0x1F000] =	vst v63  }
0xc9: {  	_ =	swait.ge [sflag:s11], $0x800  }
0xca: {  	[sflag:s11] =	ssyncset.done $0x0  }
0xcb: {  	s29 =	rddreg [dreg:$0x1a];
	[sflag:s11] =	ssyncadd.s32 $0xFFFFF800  }
0xcc: {  	[spmem:s29] =	stream.linear.scatter [tilespmem:s10], [sflag:$0x9], $0x2000, $0x38;
	[tilespmem:$0x1F000] =	vst v63  }
0xcd: {  	_ =	swait.ge [sflag:s11], $0x2000  }
0xce: {  	[sflag:s11] =	ssyncset.done $0x0  }
0xcf: {  	s30 =	rddreg [dreg:$0x1b];
	[sflag:s11] =	ssyncadd.s32 $0xFFFFE000  }
0xd0: {  	[spmem:s30] =	stream.linear.scatter [tilespmem:s18], [sflag:$0x9], $0x800, $0x38;
	[tilespmem:$0x1F000] =	vst v63  }
0xd1: {  	s31 =	smov.u32 s24;
	_ =	swait.ge [sflag:s11], $0x800  }
0xd2: {  	s12 =	smov.u32 s25;
	s0 =	smov.u32 s26;
	[sflag:s11] =	ssyncset.done $0x0  }
0xd3: {  	s4 =	simm.s32 $0x40;
	s18 =	simm.s32 $0x0;
	[sflag:s11] =	ssyncadd.s32 $0xFFFFF800  }
.LBB2_6:
0xd4: {  	p3 =	sne.s32 s4, $0x1FC0;
	[tilespmem:s18+$0x12000] =	vst v2;
	s18 =	smov.u32 s4;
	s4 =	sadd.s32 $0x40, s4  }
.Ltmp4:
0xd5: {  	(pc) =	sbr.rel @p3 .LBB2_6-.Ltmp4, $2  }
0xd6: {  	_ =	sdelay $0x2  }
0xd7: {  	s18 =	sshra.s32 s18, $0x2  }
0xd8: {  	[tilespmem:s18+$0x12000] =	vst v2  }
0xd9: {  	[bflag:$0x0] =	sbarrier.arrive $0xFFFF  }
0xda: {  	_ =	swait.ge [sflag:s13], $0x2000  }
0xdb: {  	[sflag:s13] =	ssyncset.done $0x0  }
0xdc: {  	s4 =	simm.s32 $0x5000;
	[sflag:s13] =	ssyncadd.s32 $0xFFFFE000  }
0xdd: {  	[spmem:s2] =	stream.indirect.scatter.add.f32 [tilespmem:s7], [sflag:$0x5], $0x40, s4, s6, $0xb8;
	[tilespmem:$0x1F000] =	vst v63  }
0xde: {  	s18 =	simm.s32 @p1 $0x180;
	s20 =	simm.s32 @p1 $0x10000;
	s4 =	simm.s32 @p1 $0x80  }
0xdf: {  	[tilespmem:s20], [sflag:$0x4] =	stream.indirect.gather @p1 [hbm4b:s1+s4], $0x40, s18, s4, $0xb8;
	[tilespmem:$0x1F000] =	vst v63  }
0xe0: {  	s18 =	simm.s32 @p1 $0x2  }
0xe1: {  	_ =	swait.ge @p1 [sflag:s18], $0x2000  }
0xe2: {  	[sflag:s18] =	ssyncset.done @p1 $0x0  }
0xe3: {  	s21 =	simm.s32 @p1 $0xC000;
	[sflag:s18] =	ssyncadd.s32 @p1 $0xFFFFE000;
	s18 =	simm.s32 @p1 $0x5080  }
0xe4: {  	[spmem:s2] =	stream.indirect.scatter.add.f32 @p1 [tilespmem:s21], [sflag:$0x6], $0x40, s18, s4, $0xb8;
	[tilespmem:$0x1F000] =	vst v63  }
0xe5: {  	s22 =	simm.s32 @p1 $0x12000  }
0xe6: {  	[spmem:s3] =	stream.indirect.scatter.add.f32 @p1 [tilespmem:s22], [sflag:$0x9], $0x10, s18, s4, $0xb8;
	[tilespmem:$0x1F000] =	vst v63  }
0xe7: {  	s18 =	simm.s32 @p1 $0x9  }
0xe8: {  	_ =	swait.ge @p1 [sflag:s18], $0x800  }
0xe9: {  	[sflag:s18] =	ssyncset.done @p1 $0x0  }
0xea: {  	s23 =	simm.s32 @p1 $0x5;
	[sflag:s18] =	ssyncadd.s32 @p1 $0xFFFFF800  }
0xeb: {  	_ =	swait.ge @p1 [sflag:s23], $0x2000  }
0xec: {  	[sflag:s23] =	ssyncset.done @p1 $0x0  }
0xed: {  	s24 =	simm.s32 @p1 $0xA000;
	[sflag:s23] =	ssyncadd.s32 @p1 $0xFFFFE000;
	s23 =	simm.s32 @p1 $0x200  }
0xee: {  	[tilespmem:s24], [sflag:$0x1] =	stream.indirect.gather @p1 [hbm4b:s1+s4], $0x40, s23, s4, $0xb8;
	[tilespmem:$0x1F000] =	vst v63  }
0xef: {  	s23 =	simm.s32 @p1 $0x3  }
0xf0: {  	_ =	swait.ge @p1 [sflag:s23], $0x2000  }
0xf1: {  	[sflag:s23] =	ssyncset.done @p1 $0x0  }
0xf2: {  	s24 =	simm.s32 @p1 $0xE000;
	[sflag:s23] =	ssyncadd.s32 @p1 $0xFFFFE000;
	s23 =	simm.s32 @p1 $0x5100  }
0xf3: {  	[spmem:s2] =	stream.indirect.scatter.add.f32 @p1 [tilespmem:s24], [sflag:$0x7], $0x40, s23, s4, $0xb8;
	[tilespmem:$0x1F000] =	vst v63  }
0xf4: {  	s23 =	simm.s32 @p1 $0x6  }
0xf5: {  	_ =	swait.ge @p1 [sflag:s23], $0x2000  }
0xf6: {  	[sflag:s23] =	ssyncset.done @p1 $0x0  }
0xf7: {  	[sflag:s23] =	ssyncadd.s32 @p1 $0xFFFFE000;
	s23 =	simm.s32 @p1 $0x280  }
0xf8: {  	[tilespmem:s21], [sflag:$0x2] =	stream.indirect.gather @p1 [hbm4b:s1+s4], $0x40, s23, s4, $0xb8;
	[tilespmem:$0x1F000] =	vst v63  }
0xf9: {  	s21 =	simm.s32 @p1 $0x4  }
0xfa: {  	_ =	swait.ge @p1 [sflag:s21], $0x2000  }
0xfb: {  	[sflag:s21] =	ssyncset.done @p1 $0x0  }
0xfc: {  	[sflag:s21] =	ssyncadd.s32 @p1 $0xFFFFE000;
	s21 =	simm.s32 @p1 $0x5180  }
0xfd: {  	[spmem:s2] =	stream.indirect.scatter.add.f32 @p1 [tilespmem:s20], [sflag:$0x8], $0x40, s21, s4, $0xb8;
	[tilespmem:$0x1F000] =	vst v63  }
0xfe: {  	_ = 	snop  }
0xff: {  	[spmem:s3] =	stream.indirect.scatter.add.f32 @p1 [tilespmem:s22], [sflag:$0x9], $0x10, s21, s4, $0xb8;
	[tilespmem:$0x1F000] =	vst v63  }
0x100: {  	_ =	swait.ge @p1 [sflag:s18], $0x800  }
0x101: {  	s20 =	simm.s32 @!p1 $0x12000;
	[sflag:s18] =	ssyncset.done @p1 $0x0  }
0x102: {  	s4 =	simm.s32 @!p1 $0x80;
	[sflag:s18] =	ssyncadd.s32 @p1 $0xFFFFF800;
	s18 =	simm.s32 @!p1 $0x5000  }
0x103: {  	[spmem:s3] =	stream.indirect.scatter.add.f32 @!p1 [tilespmem:s20], [sflag:$0x9], $0x10, s18, s4, $0xb8;
	[tilespmem:$0x1F000] =	vst v63  }
0x104: {  	s18 =	simm.s32 @!p1 $0x9  }
0x105: {  	_ =	swait.ge @!p1 [sflag:s18], $0x800  }
0x106: {  	[sflag:s18] =	ssyncset.done @!p1 $0x0  }
0x107: {  	s21 =	simm.s32 @!p1 $0x180;
	s22 =	simm.s32 @!p1 $0x10000;
	[sflag:s18] =	ssyncadd.s32 @!p1 $0xFFFFF800  }
0x108: {  	[tilespmem:s22], [sflag:$0x4] =	stream.indirect.gather @!p1 [hbm4b:s1+s4], $0x40, s21, s4, $0xb8;
	[tilespmem:$0x1F000] =	vst v63  }
0x109: {  	s21 =	simm.s32 @!p1 $0x2  }
0x10a: {  	_ =	swait.ge @!p1 [sflag:s21], $0x2000  }
0x10b: {  	[sflag:s21] =	ssyncset.done @!p1 $0x0  }
0x10c: {  	s23 =	simm.s32 @!p1 $0xC000;
	[sflag:s21] =	ssyncadd.s32 @!p1 $0xFFFFE000;
	s21 =	simm.s32 @!p1 $0x5080  }
0x10d: {  	[spmem:s2] =	stream.indirect.scatter.add.f32 @!p1 [tilespmem:s23], [sflag:$0x6], $0x40, s21, s4, $0xb8;
	[tilespmem:$0x1F000] =	vst v63  }
0x10e: {  	s21 =	simm.s32 @!p1 $0x5  }
0x10f: {  	_ =	swait.ge @!p1 [sflag:s21], $0x2000  }
0x110: {  	[sflag:s21] =	ssyncset.done @!p1 $0x0  }
0x111: {  	s24 =	simm.s32 @!p1 $0xA000;
	[sflag:s21] =	ssyncadd.s32 @!p1 $0xFFFFE000;
	s21 =	simm.s32 @!p1 $0x200  }
0x112: {  	[tilespmem:s24], [sflag:$0x1] =	stream.indirect.gather @!p1 [hbm4b:s1+s4], $0x40, s21, s4, $0xb8;
	[tilespmem:$0x1F000] =	vst v63  }
0x113: {  	s21 =	simm.s32 @!p1 $0x3  }
0x114: {  	_ =	swait.ge @!p1 [sflag:s21], $0x2000  }
0x115: {  	[sflag:s21] =	ssyncset.done @!p1 $0x0  }
0x116: {  	s24 =	simm.s32 @!p1 $0xE000;
	[sflag:s21] =	ssyncadd.s32 @!p1 $0xFFFFE000;
	s21 =	simm.s32 @!p1 $0x5100  }
0x117: {  	[spmem:s2] =	stream.indirect.scatter.add.f32 @!p1 [tilespmem:s24], [sflag:$0x7], $0x40, s21, s4, $0xb8;
	[tilespmem:$0x1F000] =	vst v63  }
0x118: {  	_ = 	snop  }
0x119: {  	[spmem:s3] =	stream.indirect.scatter.add.f32 @!p1 [tilespmem:s20], [sflag:$0x9], $0x10, s21, s4, $0xb8;
	[tilespmem:$0x1F000] =	vst v63  }
0x11a: {  	_ =	swait.ge @!p1 [sflag:s18], $0x800  }
0x11b: {  	[sflag:s18] =	ssyncset.done @!p1 $0x0  }
0x11c: {  	s21 =	simm.s32 @!p1 $0x6;
	[sflag:s18] =	ssyncadd.s32 @!p1 $0xFFFFF800  }
0x11d: {  	_ =	swait.ge @!p1 [sflag:s21], $0x2000  }
0x11e: {  	[sflag:s21] =	ssyncset.done @!p1 $0x0  }
0x11f: {  	[sflag:s21] =	ssyncadd.s32 @!p1 $0xFFFFE000;
	s21 =	simm.s32 @!p1 $0x280  }
0x120: {  	[tilespmem:s23], [sflag:$0x2] =	stream.indirect.gather @!p1 [hbm4b:s1+s4], $0x40, s21, s4, $0xb8;
	[tilespmem:$0x1F000] =	vst v63  }
0x121: {  	s21 =	simm.s32 @!p1 $0x4  }
0x122: {  	_ =	swait.ge @!p1 [sflag:s21], $0x2000  }
0x123: {  	[sflag:s21] =	ssyncset.done @!p1 $0x0  }
0x124: {  	[sflag:s21] =	ssyncadd.s32 @!p1 $0xFFFFE000;
	s21 =	simm.s32 @!p1 $0x5180  }
0x125: {  	[spmem:s2] =	stream.indirect.scatter.add.f32 @!p1 [tilespmem:s22], [sflag:$0x8], $0x40, s21, s4, $0xb8;
	[tilespmem:$0x1F000] =	vst v63  }
0x126: {  	_ =	swait.ge [sflag:s14], $0x2000  }
0x127: {  	[sflag:s14] =	ssyncset.done $0x0  }
0x128: {  	s30 =	simm.s32 $0x300;
	s21 =	simm.s32 $0x0;
	[sflag:s14] =	ssyncadd.s32 $0xFFFFE000  }
0x129: {  	[tilespmem:s9], [sflag:$0x3] =	stream.indirect.gather [hbm4b:s1+s6], $0x40, s30, s6, $0xb8;
	[tilespmem:$0x1F000] =	vst v63  }
.LBB2_8:
0x12a: {  	_ =	swait.ge [sflag:s13], $0x2000  }
0x12b: {  	s22 =	sshra.s32 s21, $0x2;
	[sflag:s13] =	ssyncset.done $0x0  }
0x12c: {  	s23 =	sadd.s32 $0x5200, s22;
	[sflag:s13] =	ssyncadd.s32 $0xFFFFE000  }
0x12d: {  	[spmem:s2] =	stream.indirect.scatter.add.f32 [tilespmem:s7], [sflag:$0x5], $0x40, s23, s6, $0xb8;
	[tilespmem:$0x1F000] =	vst v63  }
0x12e: {  	_ = 	snop  }
0x12f: {  	[spmem:s3] =	stream.indirect.scatter.add.f32 @!p1 [tilespmem:s20], [sflag:$0x9], $0x10, s23, s4, $0xb8;
	[tilespmem:$0x1F000] =	vst v63  }
0x130: {  	_ =	swait.ge @!p1 [sflag:s18], $0x800  }
0x131: {  	[sflag:s18] =	ssyncset.done @!p1 $0x0  }
0x132: {  	[sflag:s18] =	ssyncadd.s32 @!p1 $0xFFFFF800  }
0x133: {  	_ =	swait.ge [sflag:s15], $0x2000  }
0x134: {  	[sflag:s15] =	ssyncset.done $0x0  }
0x135: {  	s30 =	sadd.s32 $0x380, s22;
	[sflag:s15] =	ssyncadd.s32 $0xFFFFE000  }
0x136: {  	[tilespmem:s10], [sflag:$0x4] =	stream.indirect.gather [hbm4b:s1+s6], $0x40, s30, s6, $0xb8;
	[tilespmem:$0x1F000] =	vst v63  }
0x137: {  	_ =	swait.ge [sflag:s16], $0x2000  }
0x138: {  	[sflag:s16] =	ssyncset.done $0x0  }
0x139: {  	s23 =	sadd.s32 $0x5280, s22;
	[sflag:s16] =	ssyncadd.s32 $0xFFFFE000  }
0x13a: {  	[spmem:s2] =	stream.indirect.scatter.add.f32 [tilespmem:s8], [sflag:$0x6], $0x40, s23, s6, $0xb8;
	[tilespmem:$0x1F000] =	vst v63  }
0x13b: {  	s24 =	simm.s32 @!p2 $0x80;
	s25 =	simm.s32 @!p2 $0x12000  }
0x13c: {  	[spmem:s3] =	stream.indirect.scatter.add.f32 @!p2 [tilespmem:s25], [sflag:$0x9], $0x10, s23, s24, $0xb8;
	[tilespmem:$0x1F000] =	vst v63  }
0x13d: {  	s23 =	simm.s32 @!p2 $0x9  }
0x13e: {  	_ =	swait.ge @!p2 [sflag:s23], $0x800  }
0x13f: {  	p3 =	seq.s32 s21, $0x13000;
	[sflag:s23] =	ssyncset.done @!p2 $0x0  }
0x140: {  	s26 =	simm.s32 @!p3 $0x5;
	[sflag:s23] =	ssyncadd.s32 @!p2 $0xFFFFF800  }
0x141: {  	_ =	swait.ge @!p3 [sflag:s26], $0x2000  }
0x142: {  	[sflag:s26] =	ssyncset.done @!p3 $0x0  }
0x143: {  	[sflag:s26] =	ssyncadd.s32 @!p3 $0xFFFFE000;
	s26 =	sshra.s32 @!p3 s21, $0x2  }
0x144: {  	s29 =	simm.s32 @!p3 $0x80;
	s30 =	simm.s32 @!p3 $0xA000;
	s28 =	sadd.s32 @!p3 $0x400, s26  }
0x145: {  	[tilespmem:s30], [sflag:$0x1] =	stream.indirect.gather @!p3 [hbm4b:s1+s29], $0x40, s28, s29, $0xb8;
	[tilespmem:$0x1F000] =	vst v63  }
0x146: {  	_ =	swait.ge [sflag:s17], $0x2000  }
0x147: {  	[sflag:s17] =	ssyncset.done $0x0  }
0x148: {  	s28 =	sadd.s32 $0x5300, s22;
	[sflag:s17] =	ssyncadd.s32 $0xFFFFE000  }
0x149: {  	[spmem:s2] =	stream.indirect.scatter.add.f32 [tilespmem:s9], [sflag:$0x7], $0x40, s28, s6, $0xb8;
	[tilespmem:$0x1F000] =	vst v63  }
0x14a: {  	_ = 	snop  }
0x14b: {  	[spmem:s3] =	stream.indirect.scatter.add.f32 @!p1 [tilespmem:s20], [sflag:$0x9], $0x10, s28, s4, $0xb8;
	[tilespmem:$0x1F000] =	vst v63  }
0x14c: {  	_ =	swait.ge @!p1 [sflag:s18], $0x800  }
0x14d: {  	[sflag:s18] =	ssyncset.done @!p1 $0x0  }
0x14e: {  	s28 =	simm.s32 @!p3 $0x6;
	[sflag:s18] =	ssyncadd.s32 @!p1 $0xFFFFF800  }
0x14f: {  	_ =	swait.ge @!p3 [sflag:s28], $0x2000  }
0x150: {  	[sflag:s28] =	ssyncset.done @!p3 $0x0  }
0x151: {  	s26 =	sadd.s32 @!p3 $0x480, s26;
	[sflag:s28] =	ssyncadd.s32 @!p3 $0xFFFFE000;
	s28 =	simm.s32 @!p3 $0xC000  }
0x152: {  	[tilespmem:s28], [sflag:$0x2] =	stream.indirect.gather @!p3 [hbm4b:s1+s29], $0x40, s26, s29, $0xb8;
	[tilespmem:$0x1F000] =	vst v63  }
0x153: {  	_ =	swait.ge [sflag:s19], $0x2000  }
0x154: {  	[sflag:s19] =	ssyncset.done $0x0  }
0x155: {  	s26 =	sadd.s32 $0x5380, s22;
	[sflag:s19] =	ssyncadd.s32 $0xFFFFE000  }
0x156: {  	[spmem:s2] =	stream.indirect.scatter.add.f32 [tilespmem:s10], [sflag:$0x8], $0x40, s26, s6, $0xb8;
	[tilespmem:$0x1F000] =	vst v63  }
.Ltmp5:
0x157: {  	_ = 	snop;
	(pc) =	sbr.rel @p3 .LBB2_10-.Ltmp5, $4  }
0x158: {  	[spmem:s3] =	stream.indirect.scatter.add.f32 @!p2 [tilespmem:s25], [sflag:$0x9], $0x10, s26, s24, $0xb8;
	[tilespmem:$0x1F000] =	vst v63  }
0x159: {  	_ =	swait.ge @!p2 [sflag:s23], $0x800  }
0x15a: {  	[sflag:s23] =	ssyncset.done @!p2 $0x0  }
0x15b: {  	[sflag:s23] =	ssyncadd.s32 @!p2 $0xFFFFF800  }
.Ltmp6:
0x15c: {  	(pc) =	sbr.rel .LBB2_8-.Ltmp6, $4  }
0x15d: {  	_ =	swait.ge [sflag:s14], $0x2000  }
0x15e: {  	[sflag:s14] =	ssyncset.done $0x0  }
0x15f: {  	s22 =	sadd.s32 $0x500, s22;
	s21 =	sadd.s32 $0x800, s21;
	[sflag:s14] =	ssyncadd.s32 $0xFFFFE000  }
0x160: {  	[tilespmem:s9], [sflag:$0x3] =	stream.indirect.gather [hbm4b:s1+s6], $0x40, s22, s6, $0xb8;
	[tilespmem:$0x1F000] =	vst v63  }
.LBB2_11:
0x161: {  	_ =	sfence.sel $0x180000  }
0x162: {  	[bflag:$0x0] =	sbarrier.arrive $0xFFFF  }
0x163: {  	_ =	strace $0x90000047  }
0x164: {  	s0 =	stileid.u32;
	[bflag:$0x2] =	sbarrier.arrive $0xFFFF  }
0x165: {  	p0 =	sne.s32 s0, $0x0;
	s0 =	rddreg [dreg:$0x5]  }
0x166: {  	s0 =	sadd.s32 @!p0 $0x100000, s0  }
0x167: {  	[sflag:s0] =	ssyncadd.tile.s32 @!p0 $0x1;
	_ =	shalt  }
.Lfunc_end2:
_tile_overlayer_lowered:
.L_overlay_start_2:
0x168: {  	(tag) =	ssettag $0x2  }
0x169: {  	s0 =	rddreg [dreg:$0x0];
	s2 =	stileid.u32  }
0x16a: {  	s1 =	rddreg [dreg:$0x1];
	p0 =	sne.s32 s2, $0x0  }
0x16b: {  	s3 =	rddreg [dreg:$0x2];
	[bflag:$0x3] =	sbarrier.arrive $0xFFFF;
	s2 =	simm.s32 @!p0 $0x1C09  }
0x16c: {  	[timem:s3], [sflag:s2] =	dma.local @!p0 [hbm:s0], s1  }
0x16d: {  	s0 =	simm.s32 @!p0 $0x9  }
0x16e: {  	_ =	swait.ge @!p0 [sflag:s0], s1  }
0x16f: {  	s1 =	ssub.s32 @!p0 $0x0, s1;
	[sflag:s0] =	ssyncset.done @!p0 $0x0  }
0x170: {  	[sflag:s0] =	ssyncadd.s32 @!p0 s1  }
0x171: {  	[bflag:$0x3] =	sbarrier.arrive $0xFFFF  }
0x172: {  	_ =	shalt  }

</sc_bundles>
